<compile_context>
chip_gen: v7x
topology: tpu7x:2x2x1
jax: 0.10.2.dev20260603
libtpu: 0.0.44.dev20260713+nightly
codegen_flags: <defaults>
</compile_context>

<pallas_src>
import functools

import jax
import jax.numpy as jnp
from jax import lax
from jax.experimental import pallas as pl
from jax.experimental.pallas import tpu as pltpu
from jax.experimental.pallas import tpu_sc as plsc

_K = 17
_RA = 256
_RC = 512
_CH = 128
_NW = 32


def _stage_a(xt_ref, xf_ref, w1_ref, b1_ref, w2_ref, b2_ref,
             tabf_ref, idx_ref):
    b = pl.program_id(0)
    n = xf_ref.shape[1]
    ra = xt_ref.shape[1]
    xt = xt_ref[0]
    xT = xf_ref[0].T
    h = jnp.maximum(
        jnp.dot(xt, w1_ref[...], preferred_element_type=jnp.float32)
        + b1_ref[...], 0.0)
    f = (jnp.dot(h, w2_ref[...], preferred_element_type=jnp.float32)
         + b2_ref[...])
    tabf_ref[0, :, 0:128] = f
    tabf_ref[0, :, 128:131] = xt
    tabf_ref[0, :, 131:256] = jnp.zeros((ra, 125), jnp.float32)

    x2r = jnp.sum(xt * xt, axis=1, keepdims=True)
    x2c = jnp.sum(xT * xT, axis=0, keepdims=True)
    d = (x2r + x2c
         - 2.0 * jnp.dot(xt, xT, preferred_element_type=jnp.float32))

    iota = lax.broadcasted_iota(jnp.int32, (ra, n), 1)
    dbits = lax.bitcast_convert_type(
        jnp.maximum(d, jnp.float32(1e-35)), jnp.int32)
    key = lax.bitcast_convert_type((dbits & jnp.int32(~4095)) | iota,
                                   jnp.float32)
    inf = jnp.float32(jnp.inf)
    m = jnp.min(key, axis=1, keepdims=True)
    sels = []
    for k in range(_K):
        sels.append(m)
        if k + 1 < _K:
            m = jnp.min(jnp.where(key > m, key, inf), axis=1, keepdims=True)
    cols = lax.bitcast_convert_type(jnp.concatenate(sels, axis=1),
                                    jnp.int32) & jnp.int32(4095)
    idx_ref[0] = cols + b * n


def _gather_sc(tab, idx3):
    n_ch = idx3.shape[1]
    per_w = n_ch * _CH
    m = _NW * per_w
    mesh = plsc.VectorSubcoreMesh(core_axis_name="c", subcore_axis_name="s")

    n_pairs = n_ch // 2

    @functools.partial(
        pl.kernel, mesh=mesh,
        out_type=jax.ShapeDtypeStruct((m, 256), jnp.float32),
        scratch_types=[
            pltpu.VMEM((n_ch, _CH), jnp.int32),
            pltpu.VMEM((2, _CH, 256), jnp.float32),
            pltpu.SemaphoreType.DMA,
            pltpu.SemaphoreType.DMA,
        ],
    )
    def gather(tab_hbm, idx_hbm, out_hbm, idx_v, rows_v, sg, so):
        wid = lax.axis_index("s") * 2 + lax.axis_index("c")
        base = wid * per_w
        pltpu.sync_copy(idx_hbm.at[wid], idx_v)
        pltpu.async_copy(tab_hbm.at[idx_v.at[0]], rows_v.at[0], sg)

        def body(p, carry):
            c0 = p * 2
            c1 = c0 + 1
            pltpu.make_async_copy(tab_hbm.at[idx_v.at[c0]], rows_v.at[0],
                                  sg).wait()

            @pl.when(p > 0)
            def _():
                pltpu.make_async_copy(
                    rows_v.at[1],
                    out_hbm.at[pl.ds(base + (c1 - 2) * _CH, _CH)], so).wait()

            pltpu.async_copy(tab_hbm.at[idx_v.at[c1]], rows_v.at[1], sg)
            pltpu.async_copy(rows_v.at[0],
                             out_hbm.at[pl.ds(base + c0 * _CH, _CH)], so)
            pltpu.make_async_copy(tab_hbm.at[idx_v.at[c1]], rows_v.at[1],
                                  sg).wait()
            pltpu.make_async_copy(
                rows_v.at[0],
                out_hbm.at[pl.ds(base + c0 * _CH, _CH)], so).wait()

            @pl.when(c0 + 2 < n_ch)
            def _():
                pltpu.async_copy(tab_hbm.at[idx_v.at[c0 + 2]], rows_v.at[0],
                                 sg)

            pltpu.async_copy(rows_v.at[1],
                             out_hbm.at[pl.ds(base + c1 * _CH, _CH)], so)
            return carry

        lax.fori_loop(0, n_pairs, body, 0)
        if n_ch % 2:
            c = n_ch - 1
            pltpu.make_async_copy(tab_hbm.at[idx_v.at[c]], rows_v.at[0],
                                  sg).wait()
            pltpu.make_async_copy(
                rows_v.at[1],
                out_hbm.at[pl.ds(base + (c - 1) * _CH, _CH)], so).wait()
            pltpu.sync_copy(rows_v.at[0],
                            out_hbm.at[pl.ds(base + c * _CH, _CH)])
        else:
            pltpu.make_async_copy(
                rows_v.at[1],
                out_hbm.at[pl.ds(base + (n_ch - 1) * _CH, _CH)], so).wait()

    return gather(tab, idx3)


def _leaky(x):
    return jnp.where(x >= 0, x, 0.01 * x)


def _stage_c(g_ref, xp_ref, uw_ref, vw_ref, bc1_ref, w2c_ref,
             bc2_ref, w3c_ref, bc3_ref, wkl_ref, wkr_ref, bk_ref,
             wql_ref, wqr_ref, bq_ref, out_ref):
    rc = xp_ref.shape[1]
    g = g_ref[0]
    gfeat = g[:, :, 0:128]
    gx = g[:, :, 128:132]
    xi = xp_ref[0]
    fj = gfeat.reshape(_K * rc, 128)
    xj = gx.reshape(_K * rc, 4)

    u = (jnp.dot(xi, uw_ref[...], preferred_element_type=jnp.float32)
         + bc1_ref[...])
    v = jnp.dot(xj, vw_ref[...], preferred_element_type=jnp.float32)
    h1 = _leaky((v.reshape(_K, rc, 64) + u[None, :, :])).reshape(_K * rc, 64)
    h2 = _leaky(jnp.dot(h1, w2c_ref[...], preferred_element_type=jnp.float32)
                + bc2_ref[...])
    r2 = (jnp.dot(h2, w3c_ref[...], preferred_element_type=jnp.float32)
          + bc3_ref[...])

    kf = (jnp.dot(fj, wkl_ref[...], preferred_element_type=jnp.float32)
          + jnp.dot(r2, wkr_ref[...], preferred_element_type=jnp.float32)
          + bk_ref[...])
    f0 = g[0, :, 0:128]
    r20 = r2.reshape(_K, rc, 128)[0]
    q = (jnp.dot(f0, wql_ref[...], preferred_element_type=jnp.float32)
         + jnp.dot(r20, wqr_ref[...], preferred_element_type=jnp.float32)
         + bq_ref[...])

    lg = jnp.sum(kf.reshape(_K, rc, 256) * q[None, :, :], axis=2)
    kidx = lax.broadcasted_iota(jnp.int32, (_K, rc), 0)
    lg = jnp.where(kidx == 0, jnp.float32(-1e30), lg)
    mx = jnp.max(lg, axis=0, keepdims=True)
    e = jnp.exp(lg - mx)
    w = e / jnp.sum(e, axis=0, keepdims=True)
    o = jnp.sum(w[:, :, None] * gx, axis=0)
    out_ref[0] = o[:, 0:3]


def _full(shape):
    nd = len(shape)
    return pl.BlockSpec(shape, lambda b, i: (0,) * nd)


def kernel(x, global_feat, W1, b1, W2, b2, Wc1, bc1, Wc2, bc2, Wc3, bc3,
           Wq, bq, Wk, bk):
    del global_feat
    B, N, _ = x.shape
    f32 = jnp.float32

    w1t = W1.T
    w2t = W2.T
    b1r, b2r = b1[None, :], b2[None, :]

    A3, B3, C3 = Wc1[:, 0:3], Wc1[:, 3:6], Wc1[:, 6:9]
    uw = (A3 + C3).T
    vw = jnp.pad((B3 - C3).T, ((0, 1), (0, 0)))
    bc1r, bc2r, bc3r = bc1[None, :], bc2[None, :], bc3[None, :]
    w2c, w3c = Wc2.T, Wc3.T
    wkl, wkr = Wk[:, 0:128].T, Wk[:, 128:256].T
    wql, wqr = Wq[:, 0:128].T, Wq[:, 128:256].T
    bkr, bqr = bk[None, :], bq[None, :]

    outs = []
    for b in range(B):
        xb = x[b:b + 1]
        tabb, idxb = pl.pallas_call(
            _stage_a,
            grid=(1, N // _RA),
            in_specs=[
                pl.BlockSpec((1, _RA, 3), lambda b, i: (b, i, 0)),
                pl.BlockSpec((1, N, 3), lambda b, i: (b, 0, 0)),
                _full((3, 64)), _full((1, 64)),
                _full((64, 128)), _full((1, 128)),
            ],
            out_specs=[
                pl.BlockSpec((1, _RA, 256), lambda b, i: (b, i, 0)),
                pl.BlockSpec((1, _RA, _K), lambda b, i: (b, i, 0)),
            ],
            out_shape=[
                jax.ShapeDtypeStruct((1, N, 256), f32),
                jax.ShapeDtypeStruct((1, N, _K), jnp.int32),
            ],
            compiler_params=pltpu.CompilerParams(
                dimension_semantics=("parallel", "arbitrary")),
        )(xb, xb, w1t, b1r, w2t, b2r)

        idx3b = jnp.transpose(idxb, (0, 2, 1)).reshape(_NW, -1, _CH)
        gb = _gather_sc(tabb.reshape(N, 256), idx3b)
        gb = gb.reshape(1, _K, N, 256)

        outs.append(pl.pallas_call(
            _stage_c,
            grid=(1, N // _RC),
            in_specs=[
                pl.BlockSpec((1, _K, _RC, 256), lambda b, i: (b, 0, i, 0)),
                pl.BlockSpec((1, _RC, 3), lambda b, i: (b, i, 0)),
                _full((3, 64)), _full((4, 64)), _full((1, 64)),
                _full((64, 64)), _full((1, 64)),
                _full((64, 128)), _full((1, 128)),
                _full((128, 256)), _full((128, 256)), _full((1, 256)),
                _full((128, 256)), _full((128, 256)), _full((1, 256)),
            ],
            out_specs=pl.BlockSpec((1, _RC, 3), lambda b, i: (b, i, 0)),
            out_shape=jax.ShapeDtypeStruct((1, N, 3), f32),
            compiler_params=pltpu.CompilerParams(
                dimension_semantics=("parallel", "arbitrary")),
        )(gb, xb, uw, vw, bc1r, w2c, bc2r, w3c, bc3r,
          wkl, wkr, bkr, wql, wqr, bqr))
    return jnp.concatenate(outs, axis=0)

# --- scband reference (transcript-rebuilt; emitter-appended) ---
"""Pipeline reference for scband-denoiser-77841987273333 (READ-ONLY COPY).

The authoritative reference and input builder live on the scoring server;
editing this copy changes nothing except your own understanding.
"""

import jax, jax.numpy as jnp
import numpy as np

B, N, K = 2, 4096, 17


def setup_inputs(seed: int = 0) -> dict:
    key = jax.random.key(seed)
    ks = jax.random.split(key, 16)
    x = jax.random.normal(ks[0], (B, N, 3), jnp.float32)
    global_feat = jax.random.normal(ks[1], (B, 1024), jnp.float32)

    def w(k, shape, fan_in):
        return jax.random.normal(k, shape, jnp.float32) * (1.0 / np.sqrt(fan_in))

    return {
        "x": x,
        "global_feat": global_feat,
        # convs1: MLP_CONV(3 -> 64 -> 128), ReLU between, no final act
        "W1": w(ks[2], (64, 3), 3), "b1": jnp.zeros((64,), jnp.float32),
        "W2": w(ks[3], (128, 64), 64), "b2": jnp.zeros((128,), jnp.float32),
        # convs2: Conv2d 9->64 -> LeakyReLU -> 64->64 -> LeakyReLU -> 64->128 (all 1x1)
        "Wc1": w(ks[4], (64, 9), 9), "bc1": jnp.zeros((64,), jnp.float32),
        "Wc2": w(ks[5], (64, 64), 64), "bc2": jnp.zeros((64,), jnp.float32),
        "Wc3": w(ks[6], (128, 64), 64), "bc3": jnp.zeros((128,), jnp.float32),
        # conv_query / conv_key: Conv2d 256->256 (1x1)
        "Wq": w(ks[7], (256, 256), 256), "bq": jnp.zeros((256,), jnp.float32),
        "Wk": w(ks[8], (256, 256), 256), "bk": jnp.zeros((256,), jnp.float32),
    }


def reference(x, global_feat, W1, b1, W2, b2, Wc1, bc1, Wc2, bc2, Wc3, bc3, Wq, bq, Wk, bk):
    # convs1 on (B,3,N): pointwise MLP over channels -> f: (B,N,128)
    h = jax.nn.relu(jnp.einsum('bnd,od->bno', x, W1) + b1)
    f = jnp.einsum('bnd,od->bno', h, W2) + b2

    # knn_points(x, x, K=17): brute-force pairwise sq-dists + top-k (smallest)
    x2 = jnp.sum(x * x, axis=-1)
    d = x2[:, :, None] + x2[:, None, :] - 2.0 * jnp.einsum('bnd,bmd->bnm', x, x)
    idx = jax.lax.top_k(-jax.lax.stop_gradient(d), K)[1]  # (B,N,K), self first

    knn_x = jax.vmap(lambda pts, i: pts[i])(x, idx)   # (B,N,K,3)  (knn_gather on coords)
    knn_f = jax.vmap(lambda ft, i: ft[i])(f, idx)     # (B,N,K,128) (knn_gather on features)

    repeat_x = jnp.broadcast_to(x[:, :, None, :], knn_x.shape)
    dec = repeat_x - knn_x
    r = jnp.concatenate([repeat_x, knn_x, dec], axis=-1)  # (B,N,K,9)

    h2 = jax.nn.leaky_relu(jnp.einsum('bnkc,oc->bnko', r, Wc1) + bc1, 0.01)
    h2 = jax.nn.leaky_relu(jnp.einsum('bnkc,oc->bnko', h2, Wc2) + bc2, 0.01)
    r2 = jnp.einsum('bnkc,oc->bnko', h2, Wc3) + bc3       # (B,N,K,128)

    feat = jnp.concatenate([knn_f, r2], axis=-1)          # (B,N,K,256)

    q = jnp.einsum('bnkc,oc->bnko', feat[:, :, :1, :], Wq) + bq    # (B,N,1,256)
    k_ = jnp.einsum('bnkc,oc->bnko', feat[:, :, 1:, :], Wk) + bk   # (B,N,16,256)

    weight = jax.nn.softmax(jnp.sum(q * k_, axis=-1), axis=-1)     # (B,N,16)
    knn_x16 = knn_x[:, :, 1:, :]                                   # (B,N,16,3)
    new_x = jnp.sum(weight[..., None] * knn_x16, axis=2)           # (B,N,3)
    return new_x

if __name__ == "__main__":
    import jax
    _d = setup_inputs()
    print(jax.jit(kernel)(*tuple(_d.values())))

</pallas_src>

<mosaic_0001>
#map = affine_map<(d0, d1) -> (0, 0)>
#map1 = affine_map<(d0, d1) -> (0, 0, 0)>
module attributes {stable_mosaic.version = 14 : i64} {
  func.func @gather(%arg0: i32, %arg1: i32, %arg2: memref<4096x256xf32, #tpu.memory_space<hbm>>, %arg3: memref<32x17x128xi32, #tpu.memory_space<hbm>>, %arg4: memref<69632x256xf32, #tpu.memory_space<hbm>>, %arg5: memref<17x128xi32, #tpu.memory_space<vmem>>, %arg6: memref<2x128x256xf32, #tpu.memory_space<vmem>>, %arg7: memref<!tpu.dma_semaphore, #tpu.memory_space<semaphore_mem>>, %arg8: memref<!tpu.dma_semaphore, #tpu.memory_space<semaphore_mem>>) attributes {dimension_semantics = [#tpu.dimension_semantics<core_parallel>, #tpu.dimension_semantics<subcore_parallel>], iteration_bounds = array<i64: 2, 16>, scalar_prefetch = 0 : i64, scratch_operands = 4 : i64, tpu.core_type = #tpu.core_type<sc_vector_subcore>, window_params = [{transform_indices = #map}, {transform_indices = #map1}, {transform_indices = #map}]} {
    %mul3A = arith.constant 2 : i32
    %mul3A_0 = arith.muli %arg1, %mul3A : i32
    %add3A = arith.addi %mul3A_0, %arg0 : i32
    %mul3A_1 = arith.constant 2176 : i32
    %mul3A_2 = arith.muli %add3A, %mul3A_1 : i32
    "tpu.region"() ({
      %run_scoped3A_47 = tpu.sem_alloc : memref<!tpu.dma_semaphore, #tpu.memory_space<semaphore_mem>>
      %dma_start3A_48 = arith.constant 0 : i32
      %dma_start3A_49 = arith.constant 0 : i32
      %dma_start3A_50 = tpu.memref_slice %arg3[%add3A, %dma_start3A_48, %dma_start3A_49] : memref<32x17x128xi32, #tpu.memory_space<hbm>> -> memref<1x17x128xi32, #tpu.memory_space<hbm>>
      %dma_start3A_51 = tpu.memref_squeeze %dma_start3A_50 : memref<1x17x128xi32, #tpu.memory_space<hbm>> -> memref<17x128xi32, #tpu.memory_space<hbm>>
      %dma_start3A_52 = arith.constant 0 : i32
      %dma_start3A_53 = arith.constant 0 : i32
      %dma_start3A_54 = tpu.memref_slice %arg3[%add3A, %dma_start3A_52, %dma_start3A_53] : memref<32x17x128xi32, #tpu.memory_space<hbm>> -> memref<1x17x128xi32, #tpu.memory_space<hbm>>
      %dma_start3A_55 = tpu.memref_squeeze %dma_start3A_54 : memref<1x17x128xi32, #tpu.memory_space<hbm>> -> memref<17x128xi32, #tpu.memory_space<hbm>>
      tpu.enqueue_dma source(%dma_start3A_55 : memref<17x128xi32, #tpu.memory_space<hbm>>) target(%arg5 : memref<17x128xi32, #tpu.memory_space<vmem>>) target_semaphore(%run_scoped3A_47 : memref<!tpu.dma_semaphore, #tpu.memory_space<semaphore_mem>>)
      %dma_wait3A_56 = arith.constant 0 : i32
      %dma_wait3A_57 = arith.constant 0 : i32
      %dma_wait3A_58 = tpu.memref_slice %arg3[%add3A, %dma_wait3A_56, %dma_wait3A_57] : memref<32x17x128xi32, #tpu.memory_space<hbm>> -> memref<1x17x128xi32, #tpu.memory_space<hbm>>
      %dma_wait3A_59 = tpu.memref_squeeze %dma_wait3A_58 : memref<1x17x128xi32, #tpu.memory_space<hbm>> -> memref<17x128xi32, #tpu.memory_space<hbm>>
      %dma_wait3A_60 = arith.constant 0 : i32
      %dma_wait3A_61 = arith.constant 0 : i32
      %dma_wait3A_62 = tpu.memref_slice %arg3[%add3A, %dma_wait3A_60, %dma_wait3A_61] : memref<32x17x128xi32, #tpu.memory_space<hbm>> -> memref<1x17x128xi32, #tpu.memory_space<hbm>>
      %dma_wait3A_63 = tpu.memref_squeeze %dma_wait3A_62 : memref<1x17x128xi32, #tpu.memory_space<hbm>> -> memref<17x128xi32, #tpu.memory_space<hbm>>
      tpu.wait_dma2 semaphore(%run_scoped3A_47 : memref<!tpu.dma_semaphore, #tpu.memory_space<semaphore_mem>>) src(%dma_wait3A_63 : memref<17x128xi32, #tpu.memory_space<hbm>>) dst(%arg5 : memref<17x128xi32, #tpu.memory_space<vmem>>)
      tpu.yield
    }) : () -> ()
    %dma_start3A = arith.constant 0 : i32
    %dma_start3A_3 = arith.constant 0 : i32
    %dma_start3A_4 = arith.constant 0 : i32
    %dma_start3A_5 = arith.constant 0 : i32
    %dma_start3A_6 = tpu.memref_slice %arg6[%dma_start3A_3, %dma_start3A_4, %dma_start3A_5] : memref<2x128x256xf32, #tpu.memory_space<vmem>> -> memref<1x128x256xf32, #tpu.memory_space<vmem>>
    %dma_start3A_7 = tpu.memref_squeeze %dma_start3A_6 : memref<1x128x256xf32, #tpu.memory_space<vmem>> -> memref<128x256xf32, #tpu.memory_space<vmem>>
    %dma_start3A_8 = arith.constant 0 : i32
    %dma_start3A_9 = tpu.memref_slice %arg5[%dma_start3A, %dma_start3A_8] : memref<17x128xi32, #tpu.memory_space<vmem>> -> memref<1x128xi32, #tpu.memory_space<vmem>>
    %dma_start3A_10 = tpu.memref_squeeze %dma_start3A_9 : memref<1x128xi32, #tpu.memory_space<vmem>> -> memref<128xi32, #tpu.memory_space<vmem>>
    %dma_start3A_11 = arith.constant 0 : i32
    %dma_start3A_12 = arith.constant 0 : i32
    %dma_start3A_13 = tpu.memref_slice %arg2[%dma_start3A_11, %dma_start3A_12] : memref<4096x256xf32, #tpu.memory_space<hbm>> -> memref<4096x256xf32, #tpu.memory_space<hbm>>
    tpu.enqueue_indirect_dma source(%dma_start3A_13 : memref<4096x256xf32, #tpu.memory_space<hbm>>) target(%dma_start3A_7 : memref<128x256xf32, #tpu.memory_space<vmem>>) offsets(%dma_start3A_10 : memref<128xi32, #tpu.memory_space<vmem>>) semaphore(%arg7 : memref<!tpu.dma_semaphore, #tpu.memory_space<semaphore_mem>>)
    %scan3A = arith.constant 0 : i32
    %scan3A_14 = arith.constant 0 : i32
    %scan3A_15 = arith.constant 8 : i32
    %scan3A_16 = arith.addi %scan3A_14, %scan3A_15 : i32
    %scan3A_17 = arith.constant 1 : i32
    scf.for %scan3A_47 = %scan3A_14 to %scan3A_16 step %scan3A_17  : i32 {
      %mul3A_48 = arith.constant 2 : i32
      %mul3A_49 = arith.muli %scan3A_47, %mul3A_48 : i32
      %add3A_50 = arith.constant 1 : i32
      %add3A_51 = arith.addi %mul3A_49, %add3A_50 : i32
      %dma_wait3A_52 = arith.constant 0 : i32
      %dma_wait3A_53 = arith.constant 0 : i32
      %dma_wait3A_54 = arith.constant 0 : i32
      %dma_wait3A_55 = tpu.memref_slice %arg6[%dma_wait3A_52, %dma_wait3A_53, %dma_wait3A_54] : memref<2x128x256xf32, #tpu.memory_space<vmem>> -> memref<1x128x256xf32, #tpu.memory_space<vmem>>
      %dma_wait3A_56 = tpu.memref_squeeze %dma_wait3A_55 : memref<1x128x256xf32, #tpu.memory_space<vmem>> -> memref<128x256xf32, #tpu.memory_space<vmem>>
      %dma_wait3A_57 = arith.constant 0 : i32
      %dma_wait3A_58 = tpu.memref_slice %arg5[%mul3A_49, %dma_wait3A_57] : memref<17x128xi32, #tpu.memory_space<vmem>> -> memref<1x128xi32, #tpu.memory_space<vmem>>
      %dma_wait3A_59 = tpu.memref_squeeze %dma_wait3A_58 : memref<1x128xi32, #tpu.memory_space<vmem>> -> memref<128xi32, #tpu.memory_space<vmem>>
      %dma_wait3A_60 = arith.constant 0 : i32
      %dma_wait3A_61 = arith.constant 0 : i32
      %dma_wait3A_62 = tpu.memref_slice %arg2[%dma_wait3A_60, %dma_wait3A_61] : memref<4096x256xf32, #tpu.memory_space<hbm>> -> memref<4096x256xf32, #tpu.memory_space<hbm>>
      tpu.wait_indirect_dma semaphore(%arg7 : memref<!tpu.dma_semaphore, #tpu.memory_space<semaphore_mem>>) src(%dma_wait3A_62 : memref<4096x256xf32, #tpu.memory_space<hbm>>) dst(%dma_wait3A_56 : memref<128x256xf32, #tpu.memory_space<vmem>>)
      %gt3A = arith.constant 0 : i32
      %gt3A_63 = arith.cmpi sgt, %scan3A_47, %gt3A : i32
      %convert_element_type3A = arith.extui %gt3A_63 : i1 to i32
      %cond3A = arith.constant 0 : i32
      %cond3A_64 = arith.cmpi ne, %convert_element_type3A, %cond3A : i32
      scf.if %cond3A_64 {
        %sub3A = arith.constant 2 : i32
        %sub3A_141 = arith.subi %add3A_51, %sub3A : i32
        %mul3A_142 = arith.constant 128 : i32
        %mul3A_143 = arith.muli %sub3A_141, %mul3A_142 : i32
        %add3A_144 = arith.addi %mul3A_2, %mul3A_143 : i32
        %dma_wait3A_145 = arith.constant 1 : i32
        %dma_wait3A_146 = arith.constant 0 : i32
        %dma_wait3A_147 = arith.constant 0 : i32
        %dma_wait3A_148 = tpu.memref_slice %arg6[%dma_wait3A_145, %dma_wait3A_146, %dma_wait3A_147] : memref<2x128x256xf32, #tpu.memory_space<vmem>> -> memref<1x128x256xf32, #tpu.memory_space<vmem>>
        %dma_wait3A_149 = tpu.memref_squeeze %dma_wait3A_148 : memref<1x128x256xf32, #tpu.memory_space<vmem>> -> memref<128x256xf32, #tpu.memory_space<vmem>>
        %dma_wait3A_150 = arith.constant 0 : i32
        %dma_wait3A_151 = tpu.memref_slice %arg4[%add3A_144, %dma_wait3A_150] : memref<69632x256xf32, #tpu.memory_space<hbm>> -> memref<128x256xf32, #tpu.memory_space<hbm>>
        %dma_wait3A_152 = arith.constant 0 : i32
        %dma_wait3A_153 = tpu.memref_slice %arg4[%add3A_144, %dma_wait3A_152] : memref<69632x256xf32, #tpu.memory_space<hbm>> -> memref<128x256xf32, #tpu.memory_space<hbm>>
        %dma_wait3A_154 = arith.constant 0 : i32
        %dma_wait3A_155 = arith.constant 0 : i32
        %dma_wait3A_156 = tpu.memref_slice %arg6[%dma_wait3A_145, %dma_wait3A_154, %dma_wait3A_155] : memref<2x128x256xf32, #tpu.memory_space<vmem>> -> memref<1x128x256xf32, #tpu.memory_space<vmem>>
        %dma_wait3A_157 = tpu.memref_squeeze %dma_wait3A_156 : memref<1x128x256xf32, #tpu.memory_space<vmem>> -> memref<128x256xf32, #tpu.memory_space<vmem>>
        tpu.wait_dma2 semaphore(%arg8 : memref<!tpu.dma_semaphore, #tpu.memory_space<semaphore_mem>>) src(%dma_wait3A_157 : memref<128x256xf32, #tpu.memory_space<vmem>>) dst(%dma_wait3A_153 : memref<128x256xf32, #tpu.memory_space<hbm>>)
      } else {
      }
      %dma_start3A_65 = arith.constant 1 : i32
      %dma_start3A_66 = arith.constant 0 : i32
      %dma_start3A_67 = arith.constant 0 : i32
      %dma_start3A_68 = tpu.memref_slice %arg6[%dma_start3A_65, %dma_start3A_66, %dma_start3A_67] : memref<2x128x256xf32, #tpu.memory_space<vmem>> -> memref<1x128x256xf32, #tpu.memory_space<vmem>>
      %dma_start3A_69 = tpu.memref_squeeze %dma_start3A_68 : memref<1x128x256xf32, #tpu.memory_space<vmem>> -> memref<128x256xf32, #tpu.memory_space<vmem>>
      %dma_start3A_70 = arith.constant 0 : i32
      %dma_start3A_71 = tpu.memref_slice %arg5[%add3A_51, %dma_start3A_70] : memref<17x128xi32, #tpu.memory_space<vmem>> -> memref<1x128xi32, #tpu.memory_space<vmem>>
      %dma_start3A_72 = tpu.memref_squeeze %dma_start3A_71 : memref<1x128xi32, #tpu.memory_space<vmem>> -> memref<128xi32, #tpu.memory_space<vmem>>
      %dma_start3A_73 = arith.constant 0 : i32
      %dma_start3A_74 = arith.constant 0 : i32
      %dma_start3A_75 = tpu.memref_slice %arg2[%dma_start3A_73, %dma_start3A_74] : memref<4096x256xf32, #tpu.memory_space<hbm>> -> memref<4096x256xf32, #tpu.memory_space<hbm>>
      tpu.enqueue_indirect_dma source(%dma_start3A_75 : memref<4096x256xf32, #tpu.memory_space<hbm>>) target(%dma_start3A_69 : memref<128x256xf32, #tpu.memory_space<vmem>>) offsets(%dma_start3A_72 : memref<128xi32, #tpu.memory_space<vmem>>) semaphore(%arg7 : memref<!tpu.dma_semaphore, #tpu.memory_space<semaphore_mem>>)
      %mul3A_76 = arith.constant 128 : i32
      %mul3A_77 = arith.muli %mul3A_49, %mul3A_76 : i32
      %add3A_78 = arith.addi %mul3A_2, %mul3A_77 : i32
      %dma_start3A_79 = arith.constant 0 : i32
      %dma_start3A_80 = arith.constant 0 : i32
      %dma_start3A_81 = arith.constant 0 : i32
      %dma_start3A_82 = tpu.memref_slice %arg6[%dma_start3A_79, %dma_start3A_80, %dma_start3A_81] : memref<2x128x256xf32, #tpu.memory_space<vmem>> -> memref<1x128x256xf32, #tpu.memory_space<vmem>>
      %dma_start3A_83 = tpu.memref_squeeze %dma_start3A_82 : memref<1x128x256xf32, #tpu.memory_space<vmem>> -> memref<128x256xf32, #tpu.memory_space<vmem>>
      %dma_start3A_84 = arith.constant 0 : i32
      %dma_start3A_85 = tpu.memref_slice %arg4[%add3A_78, %dma_start3A_84] : memref<69632x256xf32, #tpu.memory_space<hbm>> -> memref<128x256xf32, #tpu.memory_space<hbm>>
      %dma_start3A_86 = arith.constant 0 : i32
      %dma_start3A_87 = tpu.memref_slice %arg4[%add3A_78, %dma_start3A_86] : memref<69632x256xf32, #tpu.memory_space<hbm>> -> memref<128x256xf32, #tpu.memory_space<hbm>>
      %dma_start3A_88 = arith.constant 0 : i32
      %dma_start3A_89 = arith.constant 0 : i32
      %dma_start3A_90 = tpu.memref_slice %arg6[%dma_start3A_79, %dma_start3A_88, %dma_start3A_89] : memref<2x128x256xf32, #tpu.memory_space<vmem>> -> memref<1x128x256xf32, #tpu.memory_space<vmem>>
      %dma_start3A_91 = tpu.memref_squeeze %dma_start3A_90 : memref<1x128x256xf32, #tpu.memory_space<vmem>> -> memref<128x256xf32, #tpu.memory_space<vmem>>
      tpu.enqueue_dma source(%dma_start3A_91 : memref<128x256xf32, #tpu.memory_space<vmem>>) target(%dma_start3A_87 : memref<128x256xf32, #tpu.memory_space<hbm>>) target_semaphore(%arg8 : memref<!tpu.dma_semaphore, #tpu.memory_space<semaphore_mem>>)
      %dma_wait3A_92 = arith.constant 1 : i32
      %dma_wait3A_93 = arith.constant 0 : i32
      %dma_wait3A_94 = arith.constant 0 : i32
      %dma_wait3A_95 = tpu.memref_slice %arg6[%dma_wait3A_92, %dma_wait3A_93, %dma_wait3A_94] : memref<2x128x256xf32, #tpu.memory_space<vmem>> -> memref<1x128x256xf32, #tpu.memory_space<vmem>>
      %dma_wait3A_96 = tpu.memref_squeeze %dma_wait3A_95 : memref<1x128x256xf32, #tpu.memory_space<vmem>> -> memref<128x256xf32, #tpu.memory_space<vmem>>
      %dma_wait3A_97 = arith.constant 0 : i32
      %dma_wait3A_98 = tpu.memref_slice %arg5[%add3A_51, %dma_wait3A_97] : memref<17x128xi32, #tpu.memory_space<vmem>> -> memref<1x128xi32, #tpu.memory_space<vmem>>
      %dma_wait3A_99 = tpu.memref_squeeze %dma_wait3A_98 : memref<1x128xi32, #tpu.memory_space<vmem>> -> memref<128xi32, #tpu.memory_space<vmem>>
      %dma_wait3A_100 = arith.constant 0 : i32
      %dma_wait3A_101 = arith.constant 0 : i32
      %dma_wait3A_102 = tpu.memref_slice %arg2[%dma_wait3A_100, %dma_wait3A_101] : memref<4096x256xf32, #tpu.memory_space<hbm>> -> memref<4096x256xf32, #tpu.memory_space<hbm>>
      tpu.wait_indirect_dma semaphore(%arg7 : memref<!tpu.dma_semaphore, #tpu.memory_space<semaphore_mem>>) src(%dma_wait3A_102 : memref<4096x256xf32, #tpu.memory_space<hbm>>) dst(%dma_wait3A_96 : memref<128x256xf32, #tpu.memory_space<vmem>>)
      %mul3A_103 = arith.constant 128 : i32
      %mul3A_104 = arith.muli %mul3A_49, %mul3A_103 : i32
      %add3A_105 = arith.addi %mul3A_2, %mul3A_104 : i32
      %dma_wait3A_106 = arith.constant 0 : i32
      %dma_wait3A_107 = arith.constant 0 : i32
      %dma_wait3A_108 = arith.constant 0 : i32
      %dma_wait3A_109 = tpu.memref_slice %arg6[%dma_wait3A_106, %dma_wait3A_107, %dma_wait3A_108] : memref<2x128x256xf32, #tpu.memory_space<vmem>> -> memref<1x128x256xf32, #tpu.memory_space<vmem>>
      %dma_wait3A_110 = tpu.memref_squeeze %dma_wait3A_109 : memref<1x128x256xf32, #tpu.memory_space<vmem>> -> memref<128x256xf32, #tpu.memory_space<vmem>>
      %dma_wait3A_111 = arith.constant 0 : i32
      %dma_wait3A_112 = tpu.memref_slice %arg4[%add3A_105, %dma_wait3A_111] : memref<69632x256xf32, #tpu.memory_space<hbm>> -> memref<128x256xf32, #tpu.memory_space<hbm>>
      %dma_wait3A_113 = arith.constant 0 : i32
      %dma_wait3A_114 = tpu.memref_slice %arg4[%add3A_105, %dma_wait3A_113] : memref<69632x256xf32, #tpu.memory_space<hbm>> -> memref<128x256xf32, #tpu.memory_space<hbm>>
      %dma_wait3A_115 = arith.constant 0 : i32
      %dma_wait3A_116 = arith.constant 0 : i32
      %dma_wait3A_117 = tpu.memref_slice %arg6[%dma_wait3A_106, %dma_wait3A_115, %dma_wait3A_116] : memref<2x128x256xf32, #tpu.memory_space<vmem>> -> memref<1x128x256xf32, #tpu.memory_space<vmem>>
      %dma_wait3A_118 = tpu.memref_squeeze %dma_wait3A_117 : memref<1x128x256xf32, #tpu.memory_space<vmem>> -> memref<128x256xf32, #tpu.memory_space<vmem>>
      tpu.wait_dma2 semaphore(%arg8 : memref<!tpu.dma_semaphore, #tpu.memory_space<semaphore_mem>>) src(%dma_wait3A_118 : memref<128x256xf32, #tpu.memory_space<vmem>>) dst(%dma_wait3A_114 : memref<128x256xf32, #tpu.memory_space<hbm>>)
      %add3A_119 = arith.constant 2 : i32
      %add3A_120 = arith.addi %mul3A_49, %add3A_119 : i32
      %lt3A = arith.constant 17 : i32
      %lt3A_121 = arith.cmpi slt, %add3A_120, %lt3A : i32
      %convert_element_type3A_122 = arith.extui %lt3A_121 : i1 to i32
      %cond3A_123 = arith.constant 0 : i32
      %cond3A_124 = arith.cmpi ne, %convert_element_type3A_122, %cond3A_123 : i32
      scf.if %cond3A_124 {
        %add3A_141 = arith.constant 2 : i32
        %add3A_142 = arith.addi %mul3A_49, %add3A_141 : i32
        %dma_start3A_143 = arith.constant 0 : i32
        %dma_start3A_144 = arith.constant 0 : i32
        %dma_start3A_145 = arith.constant 0 : i32
        %dma_start3A_146 = tpu.memref_slice %arg6[%dma_start3A_143, %dma_start3A_144, %dma_start3A_145] : memref<2x128x256xf32, #tpu.memory_space<vmem>> -> memref<1x128x256xf32, #tpu.memory_space<vmem>>
        %dma_start3A_147 = tpu.memref_squeeze %dma_start3A_146 : memref<1x128x256xf32, #tpu.memory_space<vmem>> -> memref<128x256xf32, #tpu.memory_space<vmem>>
        %dma_start3A_148 = arith.constant 0 : i32
        %dma_start3A_149 = tpu.memref_slice %arg5[%add3A_142, %dma_start3A_148] : memref<17x128xi32, #tpu.memory_space<vmem>> -> memref<1x128xi32, #tpu.memory_space<vmem>>
        %dma_start3A_150 = tpu.memref_squeeze %dma_start3A_149 : memref<1x128xi32, #tpu.memory_space<vmem>> -> memref<128xi32, #tpu.memory_space<vmem>>
        %dma_start3A_151 = arith.constant 0 : i32
        %dma_start3A_152 = arith.constant 0 : i32
        %dma_start3A_153 = tpu.memref_slice %arg2[%dma_start3A_151, %dma_start3A_152] : memref<4096x256xf32, #tpu.memory_space<hbm>> -> memref<4096x256xf32, #tpu.memory_space<hbm>>
        tpu.enqueue_indirect_dma source(%dma_start3A_153 : memref<4096x256xf32, #tpu.memory_space<hbm>>) target(%dma_start3A_147 : memref<128x256xf32, #tpu.memory_space<vmem>>) offsets(%dma_start3A_150 : memref<128xi32, #tpu.memory_space<vmem>>) semaphore(%arg7 : memref<!tpu.dma_semaphore, #tpu.memory_space<semaphore_mem>>)
      } else {
      }
      %mul3A_125 = arith.constant 128 : i32
      %mul3A_126 = arith.muli %add3A_51, %mul3A_125 : i32
      %add3A_127 = arith.addi %mul3A_2, %mul3A_126 : i32
      %dma_start3A_128 = arith.constant 1 : i32
      %dma_start3A_129 = arith.constant 0 : i32
      %dma_start3A_130 = arith.constant 0 : i32
      %dma_start3A_131 = tpu.memref_slice %arg6[%dma_start3A_128, %dma_start3A_129, %dma_start3A_130] : memref<2x128x256xf32, #tpu.memory_space<vmem>> -> memref<1x128x256xf32, #tpu.memory_space<vmem>>
      %dma_start3A_132 = tpu.memref_squeeze %dma_start3A_131 : memref<1x128x256xf32, #tpu.memory_space<vmem>> -> memref<128x256xf32, #tpu.memory_space<vmem>>
      %dma_start3A_133 = arith.constant 0 : i32
      %dma_start3A_134 = tpu.memref_slice %arg4[%add3A_127, %dma_start3A_133] : memref<69632x256xf32, #tpu.memory_space<hbm>> -> memref<128x256xf32, #tpu.memory_space<hbm>>
      %dma_start3A_135 = arith.constant 0 : i32
      %dma_start3A_136 = tpu.memref_slice %arg4[%add3A_127, %dma_start3A_135] : memref<69632x256xf32, #tpu.memory_space<hbm>> -> memref<128x256xf32, #tpu.memory_space<hbm>>
      %dma_start3A_137 = arith.constant 0 : i32
      %dma_start3A_138 = arith.constant 0 : i32
      %dma_start3A_139 = tpu.memref_slice %arg6[%dma_start3A_128, %dma_start3A_137, %dma_start3A_138] : memref<2x128x256xf32, #tpu.memory_space<vmem>> -> memref<1x128x256xf32, #tpu.memory_space<vmem>>
      %dma_start3A_140 = tpu.memref_squeeze %dma_start3A_139 : memref<1x128x256xf32, #tpu.memory_space<vmem>> -> memref<128x256xf32, #tpu.memory_space<vmem>>
      tpu.enqueue_dma source(%dma_start3A_140 : memref<128x256xf32, #tpu.memory_space<vmem>>) target(%dma_start3A_136 : memref<128x256xf32, #tpu.memory_space<hbm>>) target_semaphore(%arg8 : memref<!tpu.dma_semaphore, #tpu.memory_space<semaphore_mem>>)
    }
    %scan3A_18 = arith.constant 8 : i32
    %dma_wait3A = arith.constant 16 : i32
    %dma_wait3A_19 = arith.constant 0 : i32
    %dma_wait3A_20 = arith.constant 0 : i32
    %dma_wait3A_21 = arith.constant 0 : i32
    %dma_wait3A_22 = tpu.memref_slice %arg6[%dma_wait3A_19, %dma_wait3A_20, %dma_wait3A_21] : memref<2x128x256xf32, #tpu.memory_space<vmem>> -> memref<1x128x256xf32, #tpu.memory_space<vmem>>
    %dma_wait3A_23 = tpu.memref_squeeze %dma_wait3A_22 : memref<1x128x256xf32, #tpu.memory_space<vmem>> -> memref<128x256xf32, #tpu.memory_space<vmem>>
    %dma_wait3A_24 = arith.constant 0 : i32
    %dma_wait3A_25 = tpu.memref_slice %arg5[%dma_wait3A, %dma_wait3A_24] : memref<17x128xi32, #tpu.memory_space<vmem>> -> memref<1x128xi32, #tpu.memory_space<vmem>>
    %dma_wait3A_26 = tpu.memref_squeeze %dma_wait3A_25 : memref<1x128xi32, #tpu.memory_space<vmem>> -> memref<128xi32, #tpu.memory_space<vmem>>
    %dma_wait3A_27 = arith.constant 0 : i32
    %dma_wait3A_28 = arith.constant 0 : i32
    %dma_wait3A_29 = tpu.memref_slice %arg2[%dma_wait3A_27, %dma_wait3A_28] : memref<4096x256xf32, #tpu.memory_space<hbm>> -> memref<4096x256xf32, #tpu.memory_space<hbm>>
    tpu.wait_indirect_dma semaphore(%arg7 : memref<!tpu.dma_semaphore, #tpu.memory_space<semaphore_mem>>) src(%dma_wait3A_29 : memref<4096x256xf32, #tpu.memory_space<hbm>>) dst(%dma_wait3A_23 : memref<128x256xf32, #tpu.memory_space<vmem>>)
    %add3A_30 = arith.constant 1920 : i32
    %add3A_31 = arith.addi %mul3A_2, %add3A_30 : i32
    %dma_wait3A_32 = arith.constant 1 : i32
    %dma_wait3A_33 = arith.constant 0 : i32
    %dma_wait3A_34 = arith.constant 0 : i32
    %dma_wait3A_35 = tpu.memref_slice %arg6[%dma_wait3A_32, %dma_wait3A_33, %dma_wait3A_34] : memref<2x128x256xf32, #tpu.memory_space<vmem>> -> memref<1x128x256xf32, #tpu.memory_space<vmem>>
    %dma_wait3A_36 = tpu.memref_squeeze %dma_wait3A_35 : memref<1x128x256xf32, #tpu.memory_space<vmem>> -> memref<128x256xf32, #tpu.memory_space<vmem>>
    %dma_wait3A_37 = arith.constant 0 : i32
    %dma_wait3A_38 = tpu.memref_slice %arg4[%add3A_31, %dma_wait3A_37] : memref<69632x256xf32, #tpu.memory_space<hbm>> -> memref<128x256xf32, #tpu.memory_space<hbm>>
    %dma_wait3A_39 = arith.constant 0 : i32
    %dma_wait3A_40 = tpu.memref_slice %arg4[%add3A_31, %dma_wait3A_39] : memref<69632x256xf32, #tpu.memory_space<hbm>> -> memref<128x256xf32, #tpu.memory_space<hbm>>
    %dma_wait3A_41 = arith.constant 0 : i32
    %dma_wait3A_42 = arith.constant 0 : i32
    %dma_wait3A_43 = tpu.memref_slice %arg6[%dma_wait3A_32, %dma_wait3A_41, %dma_wait3A_42] : memref<2x128x256xf32, #tpu.memory_space<vmem>> -> memref<1x128x256xf32, #tpu.memory_space<vmem>>
    %dma_wait3A_44 = tpu.memref_squeeze %dma_wait3A_43 : memref<1x128x256xf32, #tpu.memory_space<vmem>> -> memref<128x256xf32, #tpu.memory_space<vmem>>
    tpu.wait_dma2 semaphore(%arg8 : memref<!tpu.dma_semaphore, #tpu.memory_space<semaphore_mem>>) src(%dma_wait3A_44 : memref<128x256xf32, #tpu.memory_space<vmem>>) dst(%dma_wait3A_40 : memref<128x256xf32, #tpu.memory_space<hbm>>)
    %add3A_45 = arith.constant 2048 : i32
    %add3A_46 = arith.addi %mul3A_2, %add3A_45 : i32
    %run_scoped3A = arith.constant 0 : i32
    "tpu.region"() ({
      %run_scoped3A_47 = tpu.sem_alloc : memref<!tpu.dma_semaphore, #tpu.memory_space<semaphore_mem>>
      %dma_start3A_48 = arith.constant 0 : i32
      %dma_start3A_49 = arith.constant 0 : i32
      %dma_start3A_50 = tpu.memref_slice %arg6[%run_scoped3A, %dma_start3A_48, %dma_start3A_49] : memref<2x128x256xf32, #tpu.memory_space<vmem>> -> memref<1x128x256xf32, #tpu.memory_space<vmem>>
      %dma_start3A_51 = tpu.memref_squeeze %dma_start3A_50 : memref<1x128x256xf32, #tpu.memory_space<vmem>> -> memref<128x256xf32, #tpu.memory_space<vmem>>
      %dma_start3A_52 = arith.constant 0 : i32
      %dma_start3A_53 = tpu.memref_slice %arg4[%add3A_46, %dma_start3A_52] : memref<69632x256xf32, #tpu.memory_space<hbm>> -> memref<128x256xf32, #tpu.memory_space<hbm>>
      %dma_start3A_54 = arith.constant 0 : i32
      %dma_start3A_55 = tpu.memref_slice %arg4[%add3A_46, %dma_start3A_54] : memref<69632x256xf32, #tpu.memory_space<hbm>> -> memref<128x256xf32, #tpu.memory_space<hbm>>
      %dma_start3A_56 = arith.constant 0 : i32
      %dma_start3A_57 = arith.constant 0 : i32
      %dma_start3A_58 = tpu.memref_slice %arg6[%run_scoped3A, %dma_start3A_56, %dma_start3A_57] : memref<2x128x256xf32, #tpu.memory_space<vmem>> -> memref<1x128x256xf32, #tpu.memory_space<vmem>>
      %dma_start3A_59 = tpu.memref_squeeze %dma_start3A_58 : memref<1x128x256xf32, #tpu.memory_space<vmem>> -> memref<128x256xf32, #tpu.memory_space<vmem>>
      tpu.enqueue_dma source(%dma_start3A_59 : memref<128x256xf32, #tpu.memory_space<vmem>>) target(%dma_start3A_55 : memref<128x256xf32, #tpu.memory_space<hbm>>) target_semaphore(%run_scoped3A_47 : memref<!tpu.dma_semaphore, #tpu.memory_space<semaphore_mem>>)
      %dma_wait3A_60 = arith.constant 0 : i32
      %dma_wait3A_61 = arith.constant 0 : i32
      %dma_wait3A_62 = tpu.memref_slice %arg6[%run_scoped3A, %dma_wait3A_60, %dma_wait3A_61] : memref<2x128x256xf32, #tpu.memory_space<vmem>> -> memref<1x128x256xf32, #tpu.memory_space<vmem>>
      %dma_wait3A_63 = tpu.memref_squeeze %dma_wait3A_62 : memref<1x128x256xf32, #tpu.memory_space<vmem>> -> memref<128x256xf32, #tpu.memory_space<vmem>>
      %dma_wait3A_64 = arith.constant 0 : i32
      %dma_wait3A_65 = tpu.memref_slice %arg4[%add3A_46, %dma_wait3A_64] : memref<69632x256xf32, #tpu.memory_space<hbm>> -> memref<128x256xf32, #tpu.memory_space<hbm>>
      %dma_wait3A_66 = arith.constant 0 : i32
      %dma_wait3A_67 = tpu.memref_slice %arg4[%add3A_46, %dma_wait3A_66] : memref<69632x256xf32, #tpu.memory_space<hbm>> -> memref<128x256xf32, #tpu.memory_space<hbm>>
      %dma_wait3A_68 = arith.constant 0 : i32
      %dma_wait3A_69 = arith.constant 0 : i32
      %dma_wait3A_70 = tpu.memref_slice %arg6[%run_scoped3A, %dma_wait3A_68, %dma_wait3A_69] : memref<2x128x256xf32, #tpu.memory_space<vmem>> -> memref<1x128x256xf32, #tpu.memory_space<vmem>>
      %dma_wait3A_71 = tpu.memref_squeeze %dma_wait3A_70 : memref<1x128x256xf32, #tpu.memory_space<vmem>> -> memref<128x256xf32, #tpu.memory_space<vmem>>
      tpu.wait_dma2 semaphore(%run_scoped3A_47 : memref<!tpu.dma_semaphore, #tpu.memory_space<semaphore_mem>>) src(%dma_wait3A_71 : memref<128x256xf32, #tpu.memory_space<vmem>>) dst(%dma_wait3A_67 : memref<128x256xf32, #tpu.memory_space<hbm>>)
      tpu.yield
    }) : () -> ()
    return
  }
}

#map = affine_map<(d0, d1) -> (0, 0)>
#map1 = affine_map<(d0, d1) -> (0, 0, 0)>
module attributes {stable_mosaic.version = 14 : i64} {
  func.func @gather(%arg0: i32, %arg1: i32, %arg2: memref<4096x256xf32, #tpu.memory_space<hbm>>, %arg3: memref<32x17x128xi32, #tpu.memory_space<hbm>>, %arg4: memref<69632x256xf32, #tpu.memory_space<hbm>>, %arg5: memref<17x128xi32, #tpu.memory_space<vmem>>, %arg6: memref<2x128x256xf32, #tpu.memory_space<vmem>>, %arg7: memref<!tpu.dma_semaphore, #tpu.memory_space<semaphore_mem>>, %arg8: memref<!tpu.dma_semaphore, #tpu.memory_space<semaphore_mem>>) attributes {dimension_semantics = [#tpu.dimension_semantics<core_parallel>, #tpu.dimension_semantics<subcore_parallel>], iteration_bounds = array<i64: 2, 16>, scalar_prefetch = 0 : i64, scratch_operands = 4 : i64, tpu.core_type = #tpu.core_type<sc_vector_subcore>, window_params = [{transform_indices = #map}, {transform_indices = #map1}, {transform_indices = #map}]} {
    %mul3A = arith.constant 2 : i32
    %mul3A_0 = arith.muli %arg1, %mul3A : i32
    %add3A = arith.addi %mul3A_0, %arg0 : i32
    %mul3A_1 = arith.constant 2176 : i32
    %mul3A_2 = arith.muli %add3A, %mul3A_1 : i32
    "tpu.region"() ({
      %run_scoped3A_47 = tpu.sem_alloc : memref<!tpu.dma_semaphore, #tpu.memory_space<semaphore_mem>>
      %dma_start3A_48 = arith.constant 0 : i32
      %dma_start3A_49 = arith.constant 0 : i32
      %dma_start3A_50 = tpu.memref_slice %arg3[%add3A, %dma_start3A_48, %dma_start3A_49] : memref<32x17x128xi32, #tpu.memory_space<hbm>> -> memref<1x17x128xi32, #tpu.memory_space<hbm>>
      %dma_start3A_51 = tpu.memref_squeeze %dma_start3A_50 : memref<1x17x128xi32, #tpu.memory_space<hbm>> -> memref<17x128xi32, #tpu.memory_space<hbm>>
      %dma_start3A_52 = arith.constant 0 : i32
      %dma_start3A_53 = arith.constant 0 : i32
      %dma_start3A_54 = tpu.memref_slice %arg3[%add3A, %dma_start3A_52, %dma_start3A_53] : memref<32x17x128xi32, #tpu.memory_space<hbm>> -> memref<1x17x128xi32, #tpu.memory_space<hbm>>
      %dma_start3A_55 = tpu.memref_squeeze %dma_start3A_54 : memref<1x17x128xi32, #tpu.memory_space<hbm>> -> memref<17x128xi32, #tpu.memory_space<hbm>>
      tpu.enqueue_dma source(%dma_start3A_55 : memref<17x128xi32, #tpu.memory_space<hbm>>) target(%arg5 : memref<17x128xi32, #tpu.memory_space<vmem>>) target_semaphore(%run_scoped3A_47 : memref<!tpu.dma_semaphore, #tpu.memory_space<semaphore_mem>>)
      %dma_wait3A_56 = arith.constant 0 : i32
      %dma_wait3A_57 = arith.constant 0 : i32
      %dma_wait3A_58 = tpu.memref_slice %arg3[%add3A, %dma_wait3A_56, %dma_wait3A_57] : memref<32x17x128xi32, #tpu.memory_space<hbm>> -> memref<1x17x128xi32, #tpu.memory_space<hbm>>
      %dma_wait3A_59 = tpu.memref_squeeze %dma_wait3A_58 : memref<1x17x128xi32, #tpu.memory_space<hbm>> -> memref<17x128xi32, #tpu.memory_space<hbm>>
      %dma_wait3A_60 = arith.constant 0 : i32
      %dma_wait3A_61 = arith.constant 0 : i32
      %dma_wait3A_62 = tpu.memref_slice %arg3[%add3A, %dma_wait3A_60, %dma_wait3A_61] : memref<32x17x128xi32, #tpu.memory_space<hbm>> -> memref<1x17x128xi32, #tpu.memory_space<hbm>>
      %dma_wait3A_63 = tpu.memref_squeeze %dma_wait3A_62 : memref<1x17x128xi32, #tpu.memory_space<hbm>> -> memref<17x128xi32, #tpu.memory_space<hbm>>
      tpu.wait_dma2 semaphore(%run_scoped3A_47 : memref<!tpu.dma_semaphore, #tpu.memory_space<semaphore_mem>>) src(%dma_wait3A_63 : memref<17x128xi32, #tpu.memory_space<hbm>>) dst(%arg5 : memref<17x128xi32, #tpu.memory_space<vmem>>)
      tpu.yield
    }) : () -> ()
    %dma_start3A = arith.constant 0 : i32
    %dma_start3A_3 = arith.constant 0 : i32
    %dma_start3A_4 = arith.constant 0 : i32
    %dma_start3A_5 = arith.constant 0 : i32
    %dma_start3A_6 = tpu.memref_slice %arg6[%dma_start3A_3, %dma_start3A_4, %dma_start3A_5] : memref<2x128x256xf32, #tpu.memory_space<vmem>> -> memref<1x128x256xf32, #tpu.memory_space<vmem>>
    %dma_start3A_7 = tpu.memref_squeeze %dma_start3A_6 : memref<1x128x256xf32, #tpu.memory_space<vmem>> -> memref<128x256xf32, #tpu.memory_space<vmem>>
    %dma_start3A_8 = arith.constant 0 : i32
    %dma_start3A_9 = tpu.memref_slice %arg5[%dma_start3A, %dma_start3A_8] : memref<17x128xi32, #tpu.memory_space<vmem>> -> memref<1x128xi32, #tpu.memory_space<vmem>>
    %dma_start3A_10 = tpu.memref_squeeze %dma_start3A_9 : memref<1x128xi32, #tpu.memory_space<vmem>> -> memref<128xi32, #tpu.memory_space<vmem>>
    %dma_start3A_11 = arith.constant 0 : i32
    %dma_start3A_12 = arith.constant 0 : i32
    %dma_start3A_13 = tpu.memref_slice %arg2[%dma_start3A_11, %dma_start3A_12] : memref<4096x256xf32, #tpu.memory_space<hbm>> -> memref<4096x256xf32, #tpu.memory_space<hbm>>
    tpu.enqueue_indirect_dma source(%dma_start3A_13 : memref<4096x256xf32, #tpu.memory_space<hbm>>) target(%dma_start3A_7 : memref<128x256xf32, #tpu.memory_space<vmem>>) offsets(%dma_start3A_10 : memref<128xi32, #tpu.memory_space<vmem>>) semaphore(%arg7 : memref<!tpu.dma_semaphore, #tpu.memory_space<semaphore_mem>>)
    %scan3A = arith.constant 0 : i32
    %scan3A_14 = arith.constant 0 : i32
    %scan3A_15 = arith.constant 8 : i32
    %scan3A_16 = arith.addi %scan3A_14, %scan3A_15 : i32
    %scan3A_17 = arith.constant 1 : i32
    scf.for %scan3A_47 = %scan3A_14 to %scan3A_16 step %scan3A_17  : i32 {
      %mul3A_48 = arith.constant 2 : i32
      %mul3A_49 = arith.muli %scan3A_47, %mul3A_48 : i32
      %add3A_50 = arith.constant 1 : i32
      %add3A_51 = arith.addi %mul3A_49, %add3A_50 : i32
      %dma_wait3A_52 = arith.constant 0 : i32
      %dma_wait3A_53 = arith.constant 0 : i32
      %dma_wait3A_54 = arith.constant 0 : i32
      %dma_wait3A_55 = tpu.memref_slice %arg6[%dma_wait3A_52, %dma_wait3A_53, %dma_wait3A_54] : memref<2x128x256xf32, #tpu.memory_space<vmem>> -> memref<1x128x256xf32, #tpu.memory_space<vmem>>
      %dma_wait3A_56 = tpu.memref_squeeze %dma_wait3A_55 : memref<1x128x256xf32, #tpu.memory_space<vmem>> -> memref<128x256xf32, #tpu.memory_space<vmem>>
      %dma_wait3A_57 = arith.constant 0 : i32
      %dma_wait3A_58 = tpu.memref_slice %arg5[%mul3A_49, %dma_wait3A_57] : memref<17x128xi32, #tpu.memory_space<vmem>> -> memref<1x128xi32, #tpu.memory_space<vmem>>
      %dma_wait3A_59 = tpu.memref_squeeze %dma_wait3A_58 : memref<1x128xi32, #tpu.memory_space<vmem>> -> memref<128xi32, #tpu.memory_space<vmem>>
      %dma_wait3A_60 = arith.constant 0 : i32
      %dma_wait3A_61 = arith.constant 0 : i32
      %dma_wait3A_62 = tpu.memref_slice %arg2[%dma_wait3A_60, %dma_wait3A_61] : memref<4096x256xf32, #tpu.memory_space<hbm>> -> memref<4096x256xf32, #tpu.memory_space<hbm>>
      tpu.wait_indirect_dma semaphore(%arg7 : memref<!tpu.dma_semaphore, #tpu.memory_space<semaphore_mem>>) src(%dma_wait3A_62 : memref<4096x256xf32, #tpu.memory_space<hbm>>) dst(%dma_wait3A_56 : memref<128x256xf32, #tpu.memory_space<vmem>>)
      %gt3A = arith.constant 0 : i32
      %gt3A_63 = arith.cmpi sgt, %scan3A_47, %gt3A : i32
      %convert_element_type3A = arith.extui %gt3A_63 : i1 to i32
      %cond3A = arith.constant 0 : i32
      %cond3A_64 = arith.cmpi ne, %convert_element_type3A, %cond3A : i32
      scf.if %cond3A_64 {
        %sub3A = arith.constant 2 : i32
        %sub3A_141 = arith.subi %add3A_51, %sub3A : i32
        %mul3A_142 = arith.constant 128 : i32
        %mul3A_143 = arith.muli %sub3A_141, %mul3A_142 : i32
        %add3A_144 = arith.addi %mul3A_2, %mul3A_143 : i32
        %dma_wait3A_145 = arith.constant 1 : i32
        %dma_wait3A_146 = arith.constant 0 : i32
        %dma_wait3A_147 = arith.constant 0 : i32
        %dma_wait3A_148 = tpu.memref_slice %arg6[%dma_wait3A_145, %dma_wait3A_146, %dma_wait3A_147] : memref<2x128x256xf32, #tpu.memory_space<vmem>> -> memref<1x128x256xf32, #tpu.memory_space<vmem>>
        %dma_wait3A_149 = tpu.memref_squeeze %dma_wait3A_148 : memref<1x128x256xf32, #tpu.memory_space<vmem>> -> memref<128x256xf32, #tpu.memory_space<vmem>>
        %dma_wait3A_150 = arith.constant 0 : i32
        %dma_wait3A_151 = tpu.memref_slice %arg4[%add3A_144, %dma_wait3A_150] : memref<69632x256xf32, #tpu.memory_space<hbm>> -> memref<128x256xf32, #tpu.memory_space<hbm>>
        %dma_wait3A_152 = arith.constant 0 : i32
        %dma_wait3A_153 = tpu.memref_slice %arg4[%add3A_144, %dma_wait3A_152] : memref<69632x256xf32, #tpu.memory_space<hbm>> -> memref<128x256xf32, #tpu.memory_space<hbm>>
        %dma_wait3A_154 = arith.constant 0 : i32
        %dma_wait3A_155 = arith.constant 0 : i32
        %dma_wait3A_156 = tpu.memref_slice %arg6[%dma_wait3A_145, %dma_wait3A_154, %dma_wait3A_155] : memref<2x128x256xf32, #tpu.memory_space<vmem>> -> memref<1x128x256xf32, #tpu.memory_space<vmem>>
        %dma_wait3A_157 = tpu.memref_squeeze %dma_wait3A_156 : memref<1x128x256xf32, #tpu.memory_space<vmem>> -> memref<128x256xf32, #tpu.memory_space<vmem>>
        tpu.wait_dma2 semaphore(%arg8 : memref<!tpu.dma_semaphore, #tpu.memory_space<semaphore_mem>>) src(%dma_wait3A_157 : memref<128x256xf32, #tpu.memory_space<vmem>>) dst(%dma_wait3A_153 : memref<128x256xf32, #tpu.memory_space<hbm>>)
      } else {
      }
      %dma_start3A_65 = arith.constant 1 : i32
      %dma_start3A_66 = arith.constant 0 : i32
      %dma_start3A_67 = arith.constant 0 : i32
      %dma_start3A_68 = tpu.memref_slice %arg6[%dma_start3A_65, %dma_start3A_66, %dma_start3A_67] : memref<2x128x256xf32, #tpu.memory_space<vmem>> -> memref<1x128x256xf32, #tpu.memory_space<vmem>>
      %dma_start3A_69 = tpu.memref_squeeze %dma_start3A_68 : memref<1x128x256xf32, #tpu.memory_space<vmem>> -> memref<128x256xf32, #tpu.memory_space<vmem>>
      %dma_start3A_70 = arith.constant 0 : i32
      %dma_start3A_71 = tpu.memref_slice %arg5[%add3A_51, %dma_start3A_70] : memref<17x128xi32, #tpu.memory_space<vmem>> -> memref<1x128xi32, #tpu.memory_space<vmem>>
      %dma_start3A_72 = tpu.memref_squeeze %dma_start3A_71 : memref<1x128xi32, #tpu.memory_space<vmem>> -> memref<128xi32, #tpu.memory_space<vmem>>
      %dma_start3A_73 = arith.constant 0 : i32
      %dma_start3A_74 = arith.constant 0 : i32
      %dma_start3A_75 = tpu.memref_slice %arg2[%dma_start3A_73, %dma_start3A_74] : memref<4096x256xf32, #tpu.memory_space<hbm>> -> memref<4096x256xf32, #tpu.memory_space<hbm>>
      tpu.enqueue_indirect_dma source(%dma_start3A_75 : memref<4096x256xf32, #tpu.memory_space<hbm>>) target(%dma_start3A_69 : memref<128x256xf32, #tpu.memory_space<vmem>>) offsets(%dma_start3A_72 : memref<128xi32, #tpu.memory_space<vmem>>) semaphore(%arg7 : memref<!tpu.dma_semaphore, #tpu.memory_space<semaphore_mem>>)
      %mul3A_76 = arith.constant 128 : i32
      %mul3A_77 = arith.muli %mul3A_49, %mul3A_76 : i32
      %add3A_78 = arith.addi %mul3A_2, %mul3A_77 : i32
      %dma_start3A_79 = arith.constant 0 : i32
      %dma_start3A_80 = arith.constant 0 : i32
      %dma_start3A_81 = arith.constant 0 : i32
      %dma_start3A_82 = tpu.memref_slice %arg6[%dma_start3A_79, %dma_start3A_80, %dma_start3A_81] : memref<2x128x256xf32, #tpu.memory_space<vmem>> -> memref<1x128x256xf32, #tpu.memory_space<vmem>>
      %dma_start3A_83 = tpu.memref_squeeze %dma_start3A_82 : memref<1x128x256xf32, #tpu.memory_space<vmem>> -> memref<128x256xf32, #tpu.memory_space<vmem>>
      %dma_start3A_84 = arith.constant 0 : i32
      %dma_start3A_85 = tpu.memref_slice %arg4[%add3A_78, %dma_start3A_84] : memref<69632x256xf32, #tpu.memory_space<hbm>> -> memref<128x256xf32, #tpu.memory_space<hbm>>
      %dma_start3A_86 = arith.constant 0 : i32
      %dma_start3A_87 = tpu.memref_slice %arg4[%add3A_78, %dma_start3A_86] : memref<69632x256xf32, #tpu.memory_space<hbm>> -> memref<128x256xf32, #tpu.memory_space<hbm>>
      %dma_start3A_88 = arith.constant 0 : i32
      %dma_start3A_89 = arith.constant 0 : i32
      %dma_start3A_90 = tpu.memref_slice %arg6[%dma_start3A_79, %dma_start3A_88, %dma_start3A_89] : memref<2x128x256xf32, #tpu.memory_space<vmem>> -> memref<1x128x256xf32, #tpu.memory_space<vmem>>
      %dma_start3A_91 = tpu.memref_squeeze %dma_start3A_90 : memref<1x128x256xf32, #tpu.memory_space<vmem>> -> memref<128x256xf32, #tpu.memory_space<vmem>>
      tpu.enqueue_dma source(%dma_start3A_91 : memref<128x256xf32, #tpu.memory_space<vmem>>) target(%dma_start3A_87 : memref<128x256xf32, #tpu.memory_space<hbm>>) target_semaphore(%arg8 : memref<!tpu.dma_semaphore, #tpu.memory_space<semaphore_mem>>)
      %dma_wait3A_92 = arith.constant 1 : i32
      %dma_wait3A_93 = arith.constant 0 : i32
      %dma_wait3A_94 = arith.constant 0 : i32
      %dma_wait3A_95 = tpu.memref_slice %arg6[%dma_wait3A_92, %dma_wait3A_93, %dma_wait3A_94] : memref<2x128x256xf32, #tpu.memory_space<vmem>> -> memref<1x128x256xf32, #tpu.memory_space<vmem>>
      %dma_wait3A_96 = tpu.memref_squeeze %dma_wait3A_95 : memref<1x128x256xf32, #tpu.memory_space<vmem>> -> memref<128x256xf32, #tpu.memory_space<vmem>>
      %dma_wait3A_97 = arith.constant 0 : i32
      %dma_wait3A_98 = tpu.memref_slice %arg5[%add3A_51, %dma_wait3A_97] : memref<17x128xi32, #tpu.memory_space<vmem>> -> memref<1x128xi32, #tpu.memory_space<vmem>>
      %dma_wait3A_99 = tpu.memref_squeeze %dma_wait3A_98 : memref<1x128xi32, #tpu.memory_space<vmem>> -> memref<128xi32, #tpu.memory_space<vmem>>
      %dma_wait3A_100 = arith.constant 0 : i32
      %dma_wait3A_101 = arith.constant 0 : i32
      %dma_wait3A_102 = tpu.memref_slice %arg2[%dma_wait3A_100, %dma_wait3A_101] : memref<4096x256xf32, #tpu.memory_space<hbm>> -> memref<4096x256xf32, #tpu.memory_space<hbm>>
      tpu.wait_indirect_dma semaphore(%arg7 : memref<!tpu.dma_semaphore, #tpu.memory_space<semaphore_mem>>) src(%dma_wait3A_102 : memref<4096x256xf32, #tpu.memory_space<hbm>>) dst(%dma_wait3A_96 : memref<128x256xf32, #tpu.memory_space<vmem>>)
      %mul3A_103 = arith.constant 128 : i32
      %mul3A_104 = arith.muli %mul3A_49, %mul3A_103 : i32
      %add3A_105 = arith.addi %mul3A_2, %mul3A_104 : i32
      %dma_wait3A_106 = arith.constant 0 : i32
      %dma_wait3A_107 = arith.constant 0 : i32
      %dma_wait3A_108 = arith.constant 0 : i32
      %dma_wait3A_109 = tpu.memref_slice %arg6[%dma_wait3A_106, %dma_wait3A_107, %dma_wait3A_108] : memref<2x128x256xf32, #tpu.memory_space<vmem>> -> memref<1x128x256xf32, #tpu.memory_space<vmem>>
      %dma_wait3A_110 = tpu.memref_squeeze %dma_wait3A_109 : memref<1x128x256xf32, #tpu.memory_space<vmem>> -> memref<128x256xf32, #tpu.memory_space<vmem>>
      %dma_wait3A_111 = arith.constant 0 : i32
      %dma_wait3A_112 = tpu.memref_slice %arg4[%add3A_105, %dma_wait3A_111] : memref<69632x256xf32, #tpu.memory_space<hbm>> -> memref<128x256xf32, #tpu.memory_space<hbm>>
      %dma_wait3A_113 = arith.constant 0 : i32
      %dma_wait3A_114 = tpu.memref_slice %arg4[%add3A_105, %dma_wait3A_113] : memref<69632x256xf32, #tpu.memory_space<hbm>> -> memref<128x256xf32, #tpu.memory_space<hbm>>
      %dma_wait3A_115 = arith.constant 0 : i32
      %dma_wait3A_116 = arith.constant 0 : i32
      %dma_wait3A_117 = tpu.memref_slice %arg6[%dma_wait3A_106, %dma_wait3A_115, %dma_wait3A_116] : memref<2x128x256xf32, #tpu.memory_space<vmem>> -> memref<1x128x256xf32, #tpu.memory_space<vmem>>
      %dma_wait3A_118 = tpu.memref_squeeze %dma_wait3A_117 : memref<1x128x256xf32, #tpu.memory_space<vmem>> -> memref<128x256xf32, #tpu.memory_space<vmem>>
      tpu.wait_dma2 semaphore(%arg8 : memref<!tpu.dma_semaphore, #tpu.memory_space<semaphore_mem>>) src(%dma_wait3A_118 : memref<128x256xf32, #tpu.memory_space<vmem>>) dst(%dma_wait3A_114 : memref<128x256xf32, #tpu.memory_space<hbm>>)
      %add3A_119 = arith.constant 2 : i32
      %add3A_120 = arith.addi %mul3A_49, %add3A_119 : i32
      %lt3A = arith.constant 17 : i32
      %lt3A_121 = arith.cmpi slt, %add3A_120, %lt3A : i32
      %convert_element_type3A_122 = arith.extui %lt3A_121 : i1 to i32
      %cond3A_123 = arith.constant 0 : i32
      %cond3A_124 = arith.cmpi ne, %convert_element_type3A_122, %cond3A_123 : i32
      scf.if %cond3A_124 {
        %add3A_141 = arith.constant 2 : i32
        %add3A_142 = arith.addi %mul3A_49, %add3A_141 : i32
        %dma_start3A_143 = arith.constant 0 : i32
        %dma_start3A_144 = arith.constant 0 : i32
        %dma_start3A_145 = arith.constant 0 : i32
        %dma_start3A_146 = tpu.memref_slice %arg6[%dma_start3A_143, %dma_start3A_144, %dma_start3A_145] : memref<2x128x256xf32, #tpu.memory_space<vmem>> -> memref<1x128x256xf32, #tpu.memory_space<vmem>>
        %dma_start3A_147 = tpu.memref_squeeze %dma_start3A_146 : memref<1x128x256xf32, #tpu.memory_space<vmem>> -> memref<128x256xf32, #tpu.memory_space<vmem>>
        %dma_start3A_148 = arith.constant 0 : i32
        %dma_start3A_149 = tpu.memref_slice %arg5[%add3A_142, %dma_start3A_148] : memref<17x128xi32, #tpu.memory_space<vmem>> -> memref<1x128xi32, #tpu.memory_space<vmem>>
        %dma_start3A_150 = tpu.memref_squeeze %dma_start3A_149 : memref<1x128xi32, #tpu.memory_space<vmem>> -> memref<128xi32, #tpu.memory_space<vmem>>
        %dma_start3A_151 = arith.constant 0 : i32
        %dma_start3A_152 = arith.constant 0 : i32
        %dma_start3A_153 = tpu.memref_slice %arg2[%dma_start3A_151, %dma_start3A_152] : memref<4096x256xf32, #tpu.memory_space<hbm>> -> memref<4096x256xf32, #tpu.memory_space<hbm>>
        tpu.enqueue_indirect_dma source(%dma_start3A_153 : memref<4096x256xf32, #tpu.memory_space<hbm>>) target(%dma_start3A_147 : memref<128x256xf32, #tpu.memory_space<vmem>>) offsets(%dma_start3A_150 : memref<128xi32, #tpu.memory_space<vmem>>) semaphore(%arg7 : memref<!tpu.dma_semaphore, #tpu.memory_space<semaphore_mem>>)
      } else {
      }
      %mul3A_125 = arith.constant 128 : i32
      %mul3A_126 = arith.muli %add3A_51, %mul3A_125 : i32
      %add3A_127 = arith.addi %mul3A_2, %mul3A_126 : i32
      %dma_start3A_128 = arith.constant 1 : i32
      %dma_start3A_129 = arith.constant 0 : i32
      %dma_start3A_130 = arith.constant 0 : i32
      %dma_start3A_131 = tpu.memref_slice %arg6[%dma_start3A_128, %dma_start3A_129, %dma_start3A_130] : memref<2x128x256xf32, #tpu.memory_space<vmem>> -> memref<1x128x256xf32, #tpu.memory_space<vmem>>
      %dma_start3A_132 = tpu.memref_squeeze %dma_start3A_131 : memref<1x128x256xf32, #tpu.memory_space<vmem>> -> memref<128x256xf32, #tpu.memory_space<vmem>>
      %dma_start3A_133 = arith.constant 0 : i32
      %dma_start3A_134 = tpu.memref_slice %arg4[%add3A_127, %dma_start3A_133] : memref<69632x256xf32, #tpu.memory_space<hbm>> -> memref<128x256xf32, #tpu.memory_space<hbm>>
      %dma_start3A_135 = arith.constant 0 : i32
      %dma_start3A_136 = tpu.memref_slice %arg4[%add3A_127, %dma_start3A_135] : memref<69632x256xf32, #tpu.memory_space<hbm>> -> memref<128x256xf32, #tpu.memory_space<hbm>>
      %dma_start3A_137 = arith.constant 0 : i32
      %dma_start3A_138 = arith.constant 0 : i32
      %dma_start3A_139 = tpu.memref_slice %arg6[%dma_start3A_128, %dma_start3A_137, %dma_start3A_138] : memref<2x128x256xf32, #tpu.memory_space<vmem>> -> memref<1x128x256xf32, #tpu.memory_space<vmem>>
      %dma_start3A_140 = tpu.memref_squeeze %dma_start3A_139 : memref<1x128x256xf32, #tpu.memory_space<vmem>> -> memref<128x256xf32, #tpu.memory_space<vmem>>
      tpu.enqueue_dma source(%dma_start3A_140 : memref<128x256xf32, #tpu.memory_space<vmem>>) target(%dma_start3A_136 : memref<128x256xf32, #tpu.memory_space<hbm>>) target_semaphore(%arg8 : memref<!tpu.dma_semaphore, #tpu.memory_space<semaphore_mem>>)
    }
    %scan3A_18 = arith.constant 8 : i32
    %dma_wait3A = arith.constant 16 : i32
    %dma_wait3A_19 = arith.constant 0 : i32
    %dma_wait3A_20 = arith.constant 0 : i32
    %dma_wait3A_21 = arith.constant 0 : i32
    %dma_wait3A_22 = tpu.memref_slice %arg6[%dma_wait3A_19, %dma_wait3A_20, %dma_wait3A_21] : memref<2x128x256xf32, #tpu.memory_space<vmem>> -> memref<1x128x256xf32, #tpu.memory_space<vmem>>
    %dma_wait3A_23 = tpu.memref_squeeze %dma_wait3A_22 : memref<1x128x256xf32, #tpu.memory_space<vmem>> -> memref<128x256xf32, #tpu.memory_space<vmem>>
    %dma_wait3A_24 = arith.constant 0 : i32
    %dma_wait3A_25 = tpu.memref_slice %arg5[%dma_wait3A, %dma_wait3A_24] : memref<17x128xi32, #tpu.memory_space<vmem>> -> memref<1x128xi32, #tpu.memory_space<vmem>>
    %dma_wait3A_26 = tpu.memref_squeeze %dma_wait3A_25 : memref<1x128xi32, #tpu.memory_space<vmem>> -> memref<128xi32, #tpu.memory_space<vmem>>
    %dma_wait3A_27 = arith.constant 0 : i32
    %dma_wait3A_28 = arith.constant 0 : i32
    %dma_wait3A_29 = tpu.memref_slice %arg2[%dma_wait3A_27, %dma_wait3A_28] : memref<4096x256xf32, #tpu.memory_space<hbm>> -> memref<4096x256xf32, #tpu.memory_space<hbm>>
    tpu.wait_indirect_dma semaphore(%arg7 : memref<!tpu.dma_semaphore, #tpu.memory_space<semaphore_mem>>) src(%dma_wait3A_29 : memref<4096x256xf32, #tpu.memory_space<hbm>>) dst(%dma_wait3A_23 : memref<128x256xf32, #tpu.memory_space<vmem>>)
    %add3A_30 = arith.constant 1920 : i32
    %add3A_31 = arith.addi %mul3A_2, %add3A_30 : i32
    %dma_wait3A_32 = arith.constant 1 : i32
    %dma_wait3A_33 = arith.constant 0 : i32
    %dma_wait3A_34 = arith.constant 0 : i32
    %dma_wait3A_35 = tpu.memref_slice %arg6[%dma_wait3A_32, %dma_wait3A_33, %dma_wait3A_34] : memref<2x128x256xf32, #tpu.memory_space<vmem>> -> memref<1x128x256xf32, #tpu.memory_space<vmem>>
    %dma_wait3A_36 = tpu.memref_squeeze %dma_wait3A_35 : memref<1x128x256xf32, #tpu.memory_space<vmem>> -> memref<128x256xf32, #tpu.memory_space<vmem>>
    %dma_wait3A_37 = arith.constant 0 : i32
    %dma_wait3A_38 = tpu.memref_slice %arg4[%add3A_31, %dma_wait3A_37] : memref<69632x256xf32, #tpu.memory_space<hbm>> -> memref<128x256xf32, #tpu.memory_space<hbm>>
    %dma_wait3A_39 = arith.constant 0 : i32
    %dma_wait3A_40 = tpu.memref_slice %arg4[%add3A_31, %dma_wait3A_39] : memref<69632x256xf32, #tpu.memory_space<hbm>> -> memref<128x256xf32, #tpu.memory_space<hbm>>
    %dma_wait3A_41 = arith.constant 0 : i32
    %dma_wait3A_42 = arith.constant 0 : i32
    %dma_wait3A_43 = tpu.memref_slice %arg6[%dma_wait3A_32, %dma_wait3A_41, %dma_wait3A_42] : memref<2x128x256xf32, #tpu.memory_space<vmem>> -> memref<1x128x256xf32, #tpu.memory_space<vmem>>
    %dma_wait3A_44 = tpu.memref_squeeze %dma_wait3A_43 : memref<1x128x256xf32, #tpu.memory_space<vmem>> -> memref<128x256xf32, #tpu.memory_space<vmem>>
    tpu.wait_dma2 semaphore(%arg8 : memref<!tpu.dma_semaphore, #tpu.memory_space<semaphore_mem>>) src(%dma_wait3A_44 : memref<128x256xf32, #tpu.memory_space<vmem>>) dst(%dma_wait3A_40 : memref<128x256xf32, #tpu.memory_space<hbm>>)
    %add3A_45 = arith.constant 2048 : i32
    %add3A_46 = arith.addi %mul3A_2, %add3A_45 : i32
    %run_scoped3A = arith.constant 0 : i32
    "tpu.region"() ({
      %run_scoped3A_47 = tpu.sem_alloc : memref<!tpu.dma_semaphore, #tpu.memory_space<semaphore_mem>>
      %dma_start3A_48 = arith.constant 0 : i32
      %dma_start3A_49 = arith.constant 0 : i32
      %dma_start3A_50 = tpu.memref_slice %arg6[%run_scoped3A, %dma_start3A_48, %dma_start3A_49] : memref<2x128x256xf32, #tpu.memory_space<vmem>> -> memref<1x128x256xf32, #tpu.memory_space<vmem>>
      %dma_start3A_51 = tpu.memref_squeeze %dma_start3A_50 : memref<1x128x256xf32, #tpu.memory_space<vmem>> -> memref<128x256xf32, #tpu.memory_space<vmem>>
      %dma_start3A_52 = arith.constant 0 : i32
      %dma_start3A_53 = tpu.memref_slice %arg4[%add3A_46, %dma_start3A_52] : memref<69632x256xf32, #tpu.memory_space<hbm>> -> memref<128x256xf32, #tpu.memory_space<hbm>>
      %dma_start3A_54 = arith.constant 0 : i32
      %dma_start3A_55 = tpu.memref_slice %arg4[%add3A_46, %dma_start3A_54] : memref<69632x256xf32, #tpu.memory_space<hbm>> -> memref<128x256xf32, #tpu.memory_space<hbm>>
      %dma_start3A_56 = arith.constant 0 : i32
      %dma_start3A_57 = arith.constant 0 : i32
      %dma_start3A_58 = tpu.memref_slice %arg6[%run_scoped3A, %dma_start3A_56, %dma_start3A_57] : memref<2x128x256xf32, #tpu.memory_space<vmem>> -> memref<1x128x256xf32, #tpu.memory_space<vmem>>
      %dma_start3A_59 = tpu.memref_squeeze %dma_start3A_58 : memref<1x128x256xf32, #tpu.memory_space<vmem>> -> memref<128x256xf32, #tpu.memory_space<vmem>>
      tpu.enqueue_dma source(%dma_start3A_59 : memref<128x256xf32, #tpu.memory_space<vmem>>) target(%dma_start3A_55 : memref<128x256xf32, #tpu.memory_space<hbm>>) target_semaphore(%run_scoped3A_47 : memref<!tpu.dma_semaphore, #tpu.memory_space<semaphore_mem>>)
      %dma_wait3A_60 = arith.constant 0 : i32
      %dma_wait3A_61 = arith.constant 0 : i32
      %dma_wait3A_62 = tpu.memref_slice %arg6[%run_scoped3A, %dma_wait3A_60, %dma_wait3A_61] : memref<2x128x256xf32, #tpu.memory_space<vmem>> -> memref<1x128x256xf32, #tpu.memory_space<vmem>>
      %dma_wait3A_63 = tpu.memref_squeeze %dma_wait3A_62 : memref<1x128x256xf32, #tpu.memory_space<vmem>> -> memref<128x256xf32, #tpu.memory_space<vmem>>
      %dma_wait3A_64 = arith.constant 0 : i32
      %dma_wait3A_65 = tpu.memref_slice %arg4[%add3A_46, %dma_wait3A_64] : memref<69632x256xf32, #tpu.memory_space<hbm>> -> memref<128x256xf32, #tpu.memory_space<hbm>>
      %dma_wait3A_66 = arith.constant 0 : i32
      %dma_wait3A_67 = tpu.memref_slice %arg4[%add3A_46, %dma_wait3A_66] : memref<69632x256xf32, #tpu.memory_space<hbm>> -> memref<128x256xf32, #tpu.memory_space<hbm>>
      %dma_wait3A_68 = arith.constant 0 : i32
      %dma_wait3A_69 = arith.constant 0 : i32
      %dma_wait3A_70 = tpu.memref_slice %arg6[%run_scoped3A, %dma_wait3A_68, %dma_wait3A_69] : memref<2x128x256xf32, #tpu.memory_space<vmem>> -> memref<1x128x256xf32, #tpu.memory_space<vmem>>
      %dma_wait3A_71 = tpu.memref_squeeze %dma_wait3A_70 : memref<1x128x256xf32, #tpu.memory_space<vmem>> -> memref<128x256xf32, #tpu.memory_space<vmem>>
      tpu.wait_dma2 semaphore(%run_scoped3A_47 : memref<!tpu.dma_semaphore, #tpu.memory_space<semaphore_mem>>) src(%dma_wait3A_71 : memref<128x256xf32, #tpu.memory_space<vmem>>) dst(%dma_wait3A_67 : memref<128x256xf32, #tpu.memory_space<hbm>>)
      tpu.yield
    }) : () -> ()
    return
  }
}

module attributes {stable_mosaic.version = 14 : i64} {
  func.func @_stage_a(%arg0: i32, %arg1: i32, %arg2: memref<1x256x3xf32, #tpu.memory_space<vmem>>, %arg3: memref<1x4096x3xf32, #tpu.memory_space<vmem>>, %arg4: memref<3x64xf32, #tpu.memory_space<vmem>>, %arg5: memref<1x64xf32, #tpu.memory_space<vmem>>, %arg6: memref<64x128xf32, #tpu.memory_space<vmem>>, %arg7: memref<1x128xf32, #tpu.memory_space<vmem>>, %arg8: memref<1x256x256xf32, #tpu.memory_space<vmem>>, %arg9: memref<1x256x17xi32, #tpu.memory_space<vmem>>) attributes {dimension_semantics = [#tpu.dimension_semantics<parallel>, #tpu.dimension_semantics<arbitrary>], iteration_bounds = array<i64: 1, 16>, scalar_prefetch = 0 : i64, scratch_operands = 0 : i64, tpu.core_type = #tpu.core_type<tc>, window_params = [{transform_indices = @transform_0, window_bounds = array<i64: 1, 256, 3>}, {transform_indices = @transform_1, window_bounds = array<i64: 1, 4096, 3>}, {pipeline_mode = #tpu.pipeline_mode<synchronous>, transform_indices = @transform_2, window_bounds = array<i64: 3, 64>}, {pipeline_mode = #tpu.pipeline_mode<synchronous>, transform_indices = @transform_3, window_bounds = array<i64: 1, 64>}, {pipeline_mode = #tpu.pipeline_mode<synchronous>, transform_indices = @transform_4, window_bounds = array<i64: 64, 128>}, {pipeline_mode = #tpu.pipeline_mode<synchronous>, transform_indices = @transform_5, window_bounds = array<i64: 1, 128>}, {transform_indices = @transform_6, window_bounds = array<i64: 1, 256, 256>}, {transform_indices = @transform_7, window_bounds = array<i64: 1, 256, 17>}]} {
    %get3A = arith.constant 0 : index
    %get3A_0 = arith.constant 0 : index
    %get3A_1 = arith.constant 0 : index
    %get3A_2 = vector.load %arg2[%get3A, %get3A_0, %get3A_1] : memref<1x256x3xf32, #tpu.memory_space<vmem>>, vector<1x256x3xf32>
    %get3A_3 = vector.shape_cast %get3A_2 : vector<1x256x3xf32> to vector<256x3xf32>
    %get3A_4 = arith.constant 0 : index
    %get3A_5 = arith.constant 0 : index
    %get3A_6 = arith.constant 0 : index
    %get3A_7 = vector.load %arg3[%get3A_4, %get3A_5, %get3A_6] : memref<1x4096x3xf32, #tpu.memory_space<vmem>>, vector<1x4096x3xf32>
    %get3A_8 = vector.shape_cast %get3A_7 : vector<1x4096x3xf32> to vector<4096x3xf32>
    %transpose3A = tpu.transpose %get3A_8, [1, 0] : vector<4096x3xf32> -> vector<3x4096xf32>
    %get3A_9 = arith.constant 0 : index
    %get3A_10 = arith.constant 0 : index
    %get3A_11 = vector.load %arg4[%get3A_9, %get3A_10] : memref<3x64xf32, #tpu.memory_space<vmem>>, vector<3x64xf32>
    %dot_general3A = arith.constant dense<0.000000e+00> : vector<256x64xf32>
    %dot_general3A_12 = tpu.matmul %get3A_3, %get3A_11, %dot_general3A {dimension_numbers = #tpu.dot_dimension_numbers<[1], [0], [0], [1], [0, 0, 1, 1], [], []>, transpose_lhs_hint = false} : vector<256x3xf32>, vector<3x64xf32>, vector<256x64xf32> -> vector<256x64xf32>
    %get3A_13 = arith.constant 0 : index
    %get3A_14 = arith.constant 0 : index
    %get3A_15 = vector.load %arg5[%get3A_13, %get3A_14] : memref<1x64xf32, #tpu.memory_space<vmem>>, vector<1x64xf32>
    %add3A = vector.broadcast %get3A_15 : vector<1x64xf32> to vector<256x64xf32>
    %add3A_16 = arith.addf %dot_general3A_12, %add3A : vector<256x64xf32>
    %max3A = arith.constant 0.000000e+00 : f32
    %max3A_17 = vector.broadcast %max3A : f32 to vector<256x64xf32>
    %max3A_18 = arith.maximumf %add3A_16, %max3A_17 : vector<256x64xf32>
    %get3A_19 = arith.constant 0 : index
    %get3A_20 = arith.constant 0 : index
    %get3A_21 = vector.load %arg6[%get3A_19, %get3A_20] : memref<64x128xf32, #tpu.memory_space<vmem>>, vector<64x128xf32>
    %dot_general3A_22 = arith.constant dense<0.000000e+00> : vector<256x128xf32>
    %dot_general3A_23 = tpu.matmul %max3A_18, %get3A_21, %dot_general3A_22 {dimension_numbers = #tpu.dot_dimension_numbers<[1], [0], [0], [1], [0, 0, 1, 1], [], []>, transpose_lhs_hint = false} : vector<256x64xf32>, vector<64x128xf32>, vector<256x128xf32> -> vector<256x128xf32>
    %get3A_24 = arith.constant 0 : index
    %get3A_25 = arith.constant 0 : index
    %get3A_26 = vector.load %arg7[%get3A_24, %get3A_25] : memref<1x128xf32, #tpu.memory_space<vmem>>, vector<1x128xf32>
    %add3A_27 = vector.broadcast %get3A_26 : vector<1x128xf32> to vector<256x128xf32>
    %add3A_28 = arith.addf %dot_general3A_23, %add3A_27 : vector<256x128xf32>
    %swap3A = arith.constant 0 : index
    %swap3A_29 = arith.constant 0 : index
    %swap3A_30 = arith.constant 0 : index
    %swap3A_31 = vector.load %arg8[%swap3A, %swap3A_29, %swap3A_30] : memref<1x256x256xf32, #tpu.memory_space<vmem>>, vector<1x256x128xf32>
    %swap3A_32 = vector.shape_cast %swap3A_31 : vector<1x256x128xf32> to vector<256x128xf32>
    %swap3A_33 = vector.shape_cast %add3A_28 : vector<256x128xf32> to vector<1x256x128xf32>
    tpu.vector_store %arg8[%swap3A, %swap3A_29, %swap3A_30], %swap3A_33 {strides = array<i32>} : memref<1x256x256xf32, #tpu.memory_space<vmem>>, vector<1x256x128xf32>,
    %swap3A_34 = arith.constant 0 : index
    %swap3A_35 = arith.constant 0 : index
    %swap3A_36 = arith.constant 128 : index
    %swap3A_37 = vector.load %arg8[%swap3A_34, %swap3A_35, %swap3A_36] : memref<1x256x256xf32, #tpu.memory_space<vmem>>, vector<1x256x3xf32>
    %swap3A_38 = vector.shape_cast %swap3A_37 : vector<1x256x3xf32> to vector<256x3xf32>
    %swap3A_39 = vector.shape_cast %get3A_3 : vector<256x3xf32> to vector<1x256x3xf32>
    tpu.vector_store %arg8[%swap3A_34, %swap3A_35, %swap3A_36], %swap3A_39 {strides = array<i32>} : memref<1x256x256xf32, #tpu.memory_space<vmem>>, vector<1x256x3xf32>,
    %broadcast_in_dim3A = arith.constant 0.000000e+00 : f32
    %broadcast_in_dim3A_40 = vector.broadcast %broadcast_in_dim3A : f32 to vector<256x125xf32>
    %swap3A_41 = arith.constant 0 : index
    %swap3A_42 = arith.constant 0 : index
    %swap3A_43 = arith.constant 131 : index
    %swap3A_44 = vector.load %arg8[%swap3A_41, %swap3A_42, %swap3A_43] : memref<1x256x256xf32, #tpu.memory_space<vmem>>, vector<1x256x125xf32>
    %swap3A_45 = vector.shape_cast %swap3A_44 : vector<1x256x125xf32> to vector<256x125xf32>
    %swap3A_46 = vector.shape_cast %broadcast_in_dim3A_40 : vector<256x125xf32> to vector<1x256x125xf32>
    tpu.vector_store %arg8[%swap3A_41, %swap3A_42, %swap3A_43], %swap3A_46 {strides = array<i32>} : memref<1x256x256xf32, #tpu.memory_space<vmem>>, vector<1x256x125xf32>,
    %mul3A = arith.mulf %get3A_3, %get3A_3 : vector<256x3xf32>
    %reduce_sum3A = arith.constant dense<0.000000e+00> : vector<256xf32>
    %reduce_sum3A_47 = vector.multi_reduction <add>, %mul3A, %reduce_sum3A [1] : vector<256x3xf32> to vector<256xf32>
    %broadcast_in_dim3A_48 = vector.shape_cast %reduce_sum3A_47 : vector<256xf32> to vector<256x1xf32>
    %mul3A_49 = arith.mulf %transpose3A, %transpose3A : vector<3x4096xf32>
    %reduce_sum3A_50 = arith.constant dense<0.000000e+00> : vector<4096xf32>
    %reduce_sum3A_51 = vector.multi_reduction <add>, %mul3A_49, %reduce_sum3A_50 [0] : vector<3x4096xf32> to vector<4096xf32>
    %broadcast_in_dim3A_52 = vector.shape_cast %reduce_sum3A_51 : vector<4096xf32> to vector<1x4096xf32>
    %add3A_53 = vector.broadcast %broadcast_in_dim3A_48 : vector<256x1xf32> to vector<256x4096xf32>
    %add3A_54 = vector.broadcast %broadcast_in_dim3A_52 : vector<1x4096xf32> to vector<256x4096xf32>
    %add3A_55 = arith.addf %add3A_53, %add3A_54 : vector<256x4096xf32>
    %dot_general3A_56 = arith.constant dense<0.000000e+00> : vector<256x4096xf32>
    %dot_general3A_57 = tpu.matmul %get3A_3, %transpose3A, %dot_general3A_56 {dimension_numbers = #tpu.dot_dimension_numbers<[1], [0], [0], [1], [0, 0, 1, 1], [], []>, transpose_lhs_hint = false} : vector<256x3xf32>, vector<3x4096xf32>, vector<256x4096xf32> -> vector<256x4096xf32>
    %mul3A_58 = arith.constant 2.000000e+00 : f32
    %mul3A_59 = vector.broadcast %mul3A_58 : f32 to vector<256x4096xf32>
    %mul3A_60 = arith.mulf %mul3A_59, %dot_general3A_57 : vector<256x4096xf32>
    %sub3A = arith.subf %add3A_55, %mul3A_60 : vector<256x4096xf32>
    %iota3A = tpu.iota {dimensions = array<i32: 1>} : vector<256x4096xi32>
    %max3A_61 = arith.constant 1.000000e-35 : f32
    %max3A_62 = vector.broadcast %max3A_61 : f32 to vector<256x4096xf32>
    %max3A_63 = arith.maximumf %sub3A, %max3A_62 : vector<256x4096xf32>
    %bitcast_convert_type3A = tpu.bitcast %max3A_63 : vector<256x4096xf32> -> vector<256x4096xi32>
    %and3A = arith.constant -4096 : i32
    %and3A_64 = vector.broadcast %and3A : i32 to vector<256x4096xi32>
    %and3A_65 = arith.andi %bitcast_convert_type3A, %and3A_64 : vector<256x4096xi32>
    %or3A = arith.ori %and3A_65, %iota3A : vector<256x4096xi32>
    %bitcast_convert_type3A_66 = tpu.bitcast %or3A : vector<256x4096xi32> -> vector<256x4096xf32>
    %reduce_min3A = arith.constant dense<0x7F800000> : vector<256xf32>
    %reduce_min3A_67 = vector.multi_reduction <minimumf>, %bitcast_convert_type3A_66, %reduce_min3A [1] : vector<256x4096xf32> to vector<256xf32>
    %broadcast_in_dim3A_68 = vector.shape_cast %reduce_min3A_67 : vector<256xf32> to vector<256x1xf32>
    %gt3A = vector.broadcast %broadcast_in_dim3A_68 : vector<256x1xf32> to vector<256x4096xf32>
    %gt3A_69 = arith.cmpf ogt, %bitcast_convert_type3A_66, %gt3A : vector<256x4096xf32>
    %jit3A = arith.constant 0x7F800000 : f32
    %broadcast_in_dim3A_70 = vector.broadcast %jit3A : f32 to vector<256x4096xf32>
    %select_n3A = arith.select %gt3A_69, %bitcast_convert_type3A_66, %broadcast_in_dim3A_70 : vector<256x4096xi1>, vector<256x4096xf32>
    %reduce_min3A_71 = arith.constant dense<0x7F800000> : vector<256xf32>
    %reduce_min3A_72 = vector.multi_reduction <minimumf>, %select_n3A, %reduce_min3A_71 [1] : vector<256x4096xf32> to vector<256xf32>
    %broadcast_in_dim3A_73 = vector.shape_cast %reduce_min3A_72 : vector<256xf32> to vector<256x1xf32>
    %gt3A_74 = vector.broadcast %broadcast_in_dim3A_73 : vector<256x1xf32> to vector<256x4096xf32>
    %gt3A_75 = arith.cmpf ogt, %bitcast_convert_type3A_66, %gt3A_74 : vector<256x4096xf32>
    %jit3A_76 = arith.constant 0x7F800000 : f32
    %broadcast_in_dim3A_77 = vector.broadcast %jit3A_76 : f32 to vector<256x4096xf32>
    %select_n3A_78 = arith.select %gt3A_75, %bitcast_convert_type3A_66, %broadcast_in_dim3A_77 : vector<256x4096xi1>, vector<256x4096xf32>
    %reduce_min3A_79 = arith.constant dense<0x7F800000> : vector<256xf32>
    %reduce_min3A_80 = vector.multi_reduction <minimumf>, %select_n3A_78, %reduce_min3A_79 [1] : vector<256x4096xf32> to vector<256xf32>
    %broadcast_in_dim3A_81 = vector.shape_cast %reduce_min3A_80 : vector<256xf32> to vector<256x1xf32>
    %gt3A_82 = vector.broadcast %broadcast_in_dim3A_81 : vector<256x1xf32> to vector<256x4096xf32>
    %gt3A_83 = arith.cmpf ogt, %bitcast_convert_type3A_66, %gt3A_82 : vector<256x4096xf32>
    %jit3A_84 = arith.constant 0x7F800000 : f32
    %broadcast_in_dim3A_85 = vector.broadcast %jit3A_84 : f32 to vector<256x4096xf32>
    %select_n3A_86 = arith.select %gt3A_83, %bitcast_convert_type3A_66, %broadcast_in_dim3A_85 : vector<256x4096xi1>, vector<256x4096xf32>
    %reduce_min3A_87 = arith.constant dense<0x7F800000> : vector<256xf32>
    %reduce_min3A_88 = vector.multi_reduction <minimumf>, %select_n3A_86, %reduce_min3A_87 [1] : vector<256x4096xf32> to vector<256xf32>
    %broadcast_in_dim3A_89 = vector.shape_cast %reduce_min3A_88 : vector<256xf32> to vector<256x1xf32>
    %gt3A_90 = vector.broadcast %broadcast_in_dim3A_89 : vector<256x1xf32> to vector<256x4096xf32>
    %gt3A_91 = arith.cmpf ogt, %bitcast_convert_type3A_66, %gt3A_90 : vector<256x4096xf32>
    %jit3A_92 = arith.constant 0x7F800000 : f32
    %broadcast_in_dim3A_93 = vector.broadcast %jit3A_92 : f32 to vector<256x4096xf32>
    %select_n3A_94 = arith.select %gt3A_91, %bitcast_convert_type3A_66, %broadcast_in_dim3A_93 : vector<256x4096xi1>, vector<256x4096xf32>
    %reduce_min3A_95 = arith.constant dense<0x7F800000> : vector<256xf32>
    %reduce_min3A_96 = vector.multi_reduction <minimumf>, %select_n3A_94, %reduce_min3A_95 [1] : vector<256x4096xf32> to vector<256xf32>
    %broadcast_in_dim3A_97 = vector.shape_cast %reduce_min3A_96 : vector<256xf32> to vector<256x1xf32>
    %gt3A_98 = vector.broadcast %broadcast_in_dim3A_97 : vector<256x1xf32> to vector<256x4096xf32>
    %gt3A_99 = arith.cmpf ogt, %bitcast_convert_type3A_66, %gt3A_98 : vector<256x4096xf32>
    %jit3A_100 = arith.constant 0x7F800000 : f32
    %broadcast_in_dim3A_101 = vector.broadcast %jit3A_100 : f32 to vector<256x4096xf32>
    %select_n3A_102 = arith.select %gt3A_99, %bitcast_convert_type3A_66, %broadcast_in_dim3A_101 : vector<256x4096xi1>, vector<256x4096xf32>
    %reduce_min3A_103 = arith.constant dense<0x7F800000> : vector<256xf32>
    %reduce_min3A_104 = vector.multi_reduction <minimumf>, %select_n3A_102, %reduce_min3A_103 [1] : vector<256x4096xf32> to vector<256xf32>
    %broadcast_in_dim3A_105 = vector.shape_cast %reduce_min3A_104 : vector<256xf32> to vector<256x1xf32>
    %gt3A_106 = vector.broadcast %broadcast_in_dim3A_105 : vector<256x1xf32> to vector<256x4096xf32>
    %gt3A_107 = arith.cmpf ogt, %bitcast_convert_type3A_66, %gt3A_106 : vector<256x4096xf32>
    %jit3A_108 = arith.constant 0x7F800000 : f32
    %broadcast_in_dim3A_109 = vector.broadcast %jit3A_108 : f32 to vector<256x4096xf32>
    %select_n3A_110 = arith.select %gt3A_107, %bitcast_convert_type3A_66, %broadcast_in_dim3A_109 : vector<256x4096xi1>, vector<256x4096xf32>
    %reduce_min3A_111 = arith.constant dense<0x7F800000> : vector<256xf32>
    %reduce_min3A_112 = vector.multi_reduction <minimumf>, %select_n3A_110, %reduce_min3A_111 [1] : vector<256x4096xf32> to vector<256xf32>
    %broadcast_in_dim3A_113 = vector.shape_cast %reduce_min3A_112 : vector<256xf32> to vector<256x1xf32>
    %gt3A_114 = vector.broadcast %broadcast_in_dim3A_113 : vector<256x1xf32> to vector<256x4096xf32>
    %gt3A_115 = arith.cmpf ogt, %bitcast_convert_type3A_66, %gt3A_114 : vector<256x4096xf32>
    %jit3A_116 = arith.constant 0x7F800000 : f32
    %broadcast_in_dim3A_117 = vector.broadcast %jit3A_116 : f32 to vector<256x4096xf32>
    %select_n3A_118 = arith.select %gt3A_115, %bitcast_convert_type3A_66, %broadcast_in_dim3A_117 : vector<256x4096xi1>, vector<256x4096xf32>
    %reduce_min3A_119 = arith.constant dense<0x7F800000> : vector<256xf32>
    %reduce_min3A_120 = vector.multi_reduction <minimumf>, %select_n3A_118, %reduce_min3A_119 [1] : vector<256x4096xf32> to vector<256xf32>
    %broadcast_in_dim3A_121 = vector.shape_cast %reduce_min3A_120 : vector<256xf32> to vector<256x1xf32>
    %gt3A_122 = vector.broadcast %broadcast_in_dim3A_121 : vector<256x1xf32> to vector<256x4096xf32>
    %gt3A_123 = arith.cmpf ogt, %bitcast_convert_type3A_66, %gt3A_122 : vector<256x4096xf32>
    %jit3A_124 = arith.constant 0x7F800000 : f32
    %broadcast_in_dim3A_125 = vector.broadcast %jit3A_124 : f32 to vector<256x4096xf32>
    %select_n3A_126 = arith.select %gt3A_123, %bitcast_convert_type3A_66, %broadcast_in_dim3A_125 : vector<256x4096xi1>, vector<256x4096xf32>
    %reduce_min3A_127 = arith.constant dense<0x7F800000> : vector<256xf32>
    %reduce_min3A_128 = vector.multi_reduction <minimumf>, %select_n3A_126, %reduce_min3A_127 [1] : vector<256x4096xf32> to vector<256xf32>
    %broadcast_in_dim3A_129 = vector.shape_cast %reduce_min3A_128 : vector<256xf32> to vector<256x1xf32>
    %gt3A_130 = vector.broadcast %broadcast_in_dim3A_129 : vector<256x1xf32> to vector<256x4096xf32>
    %gt3A_131 = arith.cmpf ogt, %bitcast_convert_type3A_66, %gt3A_130 : vector<256x4096xf32>
    %jit3A_132 = arith.constant 0x7F800000 : f32
    %broadcast_in_dim3A_133 = vector.broadcast %jit3A_132 : f32 to vector<256x4096xf32>
    %select_n3A_134 = arith.select %gt3A_131, %bitcast_convert_type3A_66, %broadcast_in_dim3A_133 : vector<256x4096xi1>, vector<256x4096xf32>
    %reduce_min3A_135 = arith.constant dense<0x7F800000> : vector<256xf32>
    %reduce_min3A_136 = vector.multi_reduction <minimumf>, %select_n3A_134, %reduce_min3A_135 [1] : vector<256x4096xf32> to vector<256xf32>
    %broadcast_in_dim3A_137 = vector.shape_cast %reduce_min3A_136 : vector<256xf32> to vector<256x1xf32>
    %gt3A_138 = vector.broadcast %broadcast_in_dim3A_137 : vector<256x1xf32> to vector<256x4096xf32>
    %gt3A_139 = arith.cmpf ogt, %bitcast_convert_type3A_66, %gt3A_138 : vector<256x4096xf32>
    %jit3A_140 = arith.constant 0x7F800000 : f32
    %broadcast_in_dim3A_141 = vector.broadcast %jit3A_140 : f32 to vector<256x4096xf32>
    %select_n3A_142 = arith.select %gt3A_139, %bitcast_convert_type3A_66, %broadcast_in_dim3A_141 : vector<256x4096xi1>, vector<256x4096xf32>
    %reduce_min3A_143 = arith.constant dense<0x7F800000> : vector<256xf32>
    %reduce_min3A_144 = vector.multi_reduction <minimumf>, %select_n3A_142, %reduce_min3A_143 [1] : vector<256x4096xf32> to vector<256xf32>
    %broadcast_in_dim3A_145 = vector.shape_cast %reduce_min3A_144 : vector<256xf32> to vector<256x1xf32>
    %gt3A_146 = vector.broadcast %broadcast_in_dim3A_145 : vector<256x1xf32> to vector<256x4096xf32>
    %gt3A_147 = arith.cmpf ogt, %bitcast_convert_type3A_66, %gt3A_146 : vector<256x4096xf32>
    %jit3A_148 = arith.constant 0x7F800000 : f32
    %broadcast_in_dim3A_149 = vector.broadcast %jit3A_148 : f32 to vector<256x4096xf32>
    %select_n3A_150 = arith.select %gt3A_147, %bitcast_convert_type3A_66, %broadcast_in_dim3A_149 : vector<256x4096xi1>, vector<256x4096xf32>
    %reduce_min3A_151 = arith.constant dense<0x7F800000> : vector<256xf32>
    %reduce_min3A_152 = vector.multi_reduction <minimumf>, %select_n3A_150, %reduce_min3A_151 [1] : vector<256x4096xf32> to vector<256xf32>
    %broadcast_in_dim3A_153 = vector.shape_cast %reduce_min3A_152 : vector<256xf32> to vector<256x1xf32>
    %gt3A_154 = vector.broadcast %broadcast_in_dim3A_153 : vector<256x1xf32> to vector<256x4096xf32>
    %gt3A_155 = arith.cmpf ogt, %bitcast_convert_type3A_66, %gt3A_154 : vector<256x4096xf32>
    %jit3A_156 = arith.constant 0x7F800000 : f32
    %broadcast_in_dim3A_157 = vector.broadcast %jit3A_156 : f32 to vector<256x4096xf32>
    %select_n3A_158 = arith.select %gt3A_155, %bitcast_convert_type3A_66, %broadcast_in_dim3A_157 : vector<256x4096xi1>, vector<256x4096xf32>
    %reduce_min3A_159 = arith.constant dense<0x7F800000> : vector<256xf32>
    %reduce_min3A_160 = vector.multi_reduction <minimumf>, %select_n3A_158, %reduce_min3A_159 [1] : vector<256x4096xf32> to vector<256xf32>
    %broadcast_in_dim3A_161 = vector.shape_cast %reduce_min3A_160 : vector<256xf32> to vector<256x1xf32>
    %gt3A_162 = vector.broadcast %broadcast_in_dim3A_161 : vector<256x1xf32> to vector<256x4096xf32>
    %gt3A_163 = arith.cmpf ogt, %bitcast_convert_type3A_66, %gt3A_162 : vector<256x4096xf32>
    %jit3A_164 = arith.constant 0x7F800000 : f32
    %broadcast_in_dim3A_165 = vector.broadcast %jit3A_164 : f32 to vector<256x4096xf32>
    %select_n3A_166 = arith.select %gt3A_163, %bitcast_convert_type3A_66, %broadcast_in_dim3A_165 : vector<256x4096xi1>, vector<256x4096xf32>
    %reduce_min3A_167 = arith.constant dense<0x7F800000> : vector<256xf32>
    %reduce_min3A_168 = vector.multi_reduction <minimumf>, %select_n3A_166, %reduce_min3A_167 [1] : vector<256x4096xf32> to vector<256xf32>
    %broadcast_in_dim3A_169 = vector.shape_cast %reduce_min3A_168 : vector<256xf32> to vector<256x1xf32>
    %gt3A_170 = vector.broadcast %broadcast_in_dim3A_169 : vector<256x1xf32> to vector<256x4096xf32>
    %gt3A_171 = arith.cmpf ogt, %bitcast_convert_type3A_66, %gt3A_170 : vector<256x4096xf32>
    %jit3A_172 = arith.constant 0x7F800000 : f32
    %broadcast_in_dim3A_173 = vector.broadcast %jit3A_172 : f32 to vector<256x4096xf32>
    %select_n3A_174 = arith.select %gt3A_171, %bitcast_convert_type3A_66, %broadcast_in_dim3A_173 : vector<256x4096xi1>, vector<256x4096xf32>
    %reduce_min3A_175 = arith.constant dense<0x7F800000> : vector<256xf32>
    %reduce_min3A_176 = vector.multi_reduction <minimumf>, %select_n3A_174, %reduce_min3A_175 [1] : vector<256x4096xf32> to vector<256xf32>
    %broadcast_in_dim3A_177 = vector.shape_cast %reduce_min3A_176 : vector<256xf32> to vector<256x1xf32>
    %gt3A_178 = vector.broadcast %broadcast_in_dim3A_177 : vector<256x1xf32> to vector<256x4096xf32>
    %gt3A_179 = arith.cmpf ogt, %bitcast_convert_type3A_66, %gt3A_178 : vector<256x4096xf32>
    %jit3A_180 = arith.constant 0x7F800000 : f32
    %broadcast_in_dim3A_181 = vector.broadcast %jit3A_180 : f32 to vector<256x4096xf32>
    %select_n3A_182 = arith.select %gt3A_179, %bitcast_convert_type3A_66, %broadcast_in_dim3A_181 : vector<256x4096xi1>, vector<256x4096xf32>
    %reduce_min3A_183 = arith.constant dense<0x7F800000> : vector<256xf32>
    %reduce_min3A_184 = vector.multi_reduction <minimumf>, %select_n3A_182, %reduce_min3A_183 [1] : vector<256x4096xf32> to vector<256xf32>
    %broadcast_in_dim3A_185 = vector.shape_cast %reduce_min3A_184 : vector<256xf32> to vector<256x1xf32>
    %gt3A_186 = vector.broadcast %broadcast_in_dim3A_185 : vector<256x1xf32> to vector<256x4096xf32>
    %gt3A_187 = arith.cmpf ogt, %bitcast_convert_type3A_66, %gt3A_186 : vector<256x4096xf32>
    %jit3A_188 = arith.constant 0x7F800000 : f32
    %broadcast_in_dim3A_189 = vector.broadcast %jit3A_188 : f32 to vector<256x4096xf32>
    %select_n3A_190 = arith.select %gt3A_187, %bitcast_convert_type3A_66, %broadcast_in_dim3A_189 : vector<256x4096xi1>, vector<256x4096xf32>
    %reduce_min3A_191 = arith.constant dense<0x7F800000> : vector<256xf32>
    %reduce_min3A_192 = vector.multi_reduction <minimumf>, %select_n3A_190, %reduce_min3A_191 [1] : vector<256x4096xf32> to vector<256xf32>
    %broadcast_in_dim3A_193 = vector.shape_cast %reduce_min3A_192 : vector<256xf32> to vector<256x1xf32>
    %concatenate3A = tpu.concatenate %broadcast_in_dim3A_68, %broadcast_in_dim3A_73, %broadcast_in_dim3A_81, %broadcast_in_dim3A_89, %broadcast_in_dim3A_97, %broadcast_in_dim3A_105, %broadcast_in_dim3A_113, %broadcast_in_dim3A_121, %broadcast_in_dim3A_129, %broadcast_in_dim3A_137, %broadcast_in_dim3A_145, %broadcast_in_dim3A_153, %broadcast_in_dim3A_161, %broadcast_in_dim3A_169, %broadcast_in_dim3A_177, %broadcast_in_dim3A_185, %broadcast_in_dim3A_193 in 1 : vector<256x1xf32>, vector<256x1xf32>, vector<256x1xf32>, vector<256x1xf32>, vector<256x1xf32>, vector<256x1xf32>, vector<256x1xf32>, vector<256x1xf32>, vector<256x1xf32>, vector<256x1xf32>, vector<256x1xf32>, vector<256x1xf32>, vector<256x1xf32>, vector<256x1xf32>, vector<256x1xf32>, vector<256x1xf32>, vector<256x1xf32> -> vector<256x17xf32>
    %bitcast_convert_type3A_194 = tpu.bitcast %concatenate3A : vector<256x17xf32> -> vector<256x17xi32>
    %and3A_195 = arith.constant 4095 : i32
    %and3A_196 = vector.broadcast %and3A_195 : i32 to vector<256x17xi32>
    %and3A_197 = arith.andi %bitcast_convert_type3A_194, %and3A_196 : vector<256x17xi32>
    %mul3A_198 = arith.constant 4096 : i32
    %mul3A_199 = arith.muli %arg0, %mul3A_198 : i32
    %add3A_200 = vector.broadcast %mul3A_199 : i32 to vector<256x17xi32>
    %add3A_201 = arith.addi %and3A_197, %add3A_200 : vector<256x17xi32>
    %swap3A_202 = arith.constant 0 : index
    %swap3A_203 = arith.constant 0 : index
    %swap3A_204 = arith.constant 0 : index
    %swap3A_205 = vector.load %arg9[%swap3A_202, %swap3A_203, %swap3A_204] : memref<1x256x17xi32, #tpu.memory_space<vmem>>, vector<1x256x17xi32>
    %swap3A_206 = vector.shape_cast %swap3A_205 : vector<1x256x17xi32> to vector<256x17xi32>
    %swap3A_207 = vector.shape_cast %add3A_201 : vector<256x17xi32> to vector<1x256x17xi32>
    tpu.vector_store %arg9[%swap3A_202, %swap3A_203, %swap3A_204], %swap3A_207 {strides = array<i32>} : memref<1x256x17xi32, #tpu.memory_space<vmem>>, vector<1x256x17xi32>,
    return
  }
  func.func @transform_0(%arg0: i32, %arg1: i32) -> (i32, i32, i32) {
    %c0_i32 = arith.constant 0 : i32
    %c0_i32_0 = arith.constant 0 : i32
    return %arg0, %arg1, %c0_i32 : i32, i32, i32
  }
  func.func @transform_1(%arg0: i32, %arg1: i32) -> (i32, i32, i32) {
    %c0_i32 = arith.constant 0 : i32
    %c0_i32_0 = arith.constant 0 : i32
    %c0_i32_1 = arith.constant 0 : i32
    return %arg0, %c0_i32, %c0_i32_0 : i32, i32, i32
  }
  func.func @transform_2(%arg0: i32, %arg1: i32) -> (i32, i32) {
    %c0_i32 = arith.constant 0 : i32
    %c0_i32_0 = arith.constant 0 : i32
    %c0_i32_1 = arith.constant 0 : i32
    return %c0_i32, %c0_i32_0 : i32, i32
  }
  func.func @transform_3(%arg0: i32, %arg1: i32) -> (i32, i32) {
    %c0_i32 = arith.constant 0 : i32
    %c0_i32_0 = arith.constant 0 : i32
    %c0_i32_1 = arith.constant 0 : i32
    return %c0_i32, %c0_i32_0 : i32, i32
  }
  func.func @transform_4(%arg0: i32, %arg1: i32) -> (i32, i32) {
    %c0_i32 = arith.constant 0 : i32
    %c0_i32_0 = arith.constant 0 : i32
    %c0_i32_1 = arith.constant 0 : i32
    return %c0_i32, %c0_i32_0 : i32, i32
  }
  func.func @transform_5(%arg0: i32, %arg1: i32) -> (i32, i32) {
    %c0_i32 = arith.constant 0 : i32
    %c0_i32_0 = arith.constant 0 : i32
    %c0_i32_1 = arith.constant 0 : i32
    return %c0_i32, %c0_i32_0 : i32, i32
  }
  func.func @transform_6(%arg0: i32, %arg1: i32) -> (i32, i32, i32) {
    %c0_i32 = arith.constant 0 : i32
    %c0_i32_0 = arith.constant 0 : i32
    return %arg0, %arg1, %c0_i32 : i32, i32, i32
  }
  func.func @transform_7(%arg0: i32, %arg1: i32) -> (i32, i32, i32) {
    %c0_i32 = arith.constant 0 : i32
    %c0_i32_0 = arith.constant 0 : i32
    return %arg0, %arg1, %c0_i32 : i32, i32, i32
  }
}

module attributes {stable_mosaic.version = 14 : i64} {
  func.func @_stage_c(%arg0: i32, %arg1: i32, %arg2: memref<1x17x512x256xf32, #tpu.memory_space<vmem>>, %arg3: memref<1x512x3xf32, #tpu.memory_space<vmem>>, %arg4: memref<3x64xf32, #tpu.memory_space<vmem>>, %arg5: memref<4x64xf32, #tpu.memory_space<vmem>>, %arg6: memref<1x64xf32, #tpu.memory_space<vmem>>, %arg7: memref<64x64xf32, #tpu.memory_space<vmem>>, %arg8: memref<1x64xf32, #tpu.memory_space<vmem>>, %arg9: memref<64x128xf32, #tpu.memory_space<vmem>>, %arg10: memref<1x128xf32, #tpu.memory_space<vmem>>, %arg11: memref<128x256xf32, #tpu.memory_space<vmem>>, %arg12: memref<128x256xf32, #tpu.memory_space<vmem>>, %arg13: memref<1x256xf32, #tpu.memory_space<vmem>>, %arg14: memref<128x256xf32, #tpu.memory_space<vmem>>, %arg15: memref<128x256xf32, #tpu.memory_space<vmem>>, %arg16: memref<1x256xf32, #tpu.memory_space<vmem>>, %arg17: memref<1x512x3xf32, #tpu.memory_space<vmem>>) attributes {dimension_semantics = [#tpu.dimension_semantics<parallel>, #tpu.dimension_semantics<arbitrary>], iteration_bounds = array<i64: 1, 8>, scalar_prefetch = 0 : i64, scratch_operands = 0 : i64, tpu.core_type = #tpu.core_type<tc>, window_params = [{transform_indices = @transform_0, window_bounds = array<i64: 1, 17, 512, 256>}, {transform_indices = @transform_1, window_bounds = array<i64: 1, 512, 3>}, {pipeline_mode = #tpu.pipeline_mode<synchronous>, transform_indices = @transform_2, window_bounds = array<i64: 3, 64>}, {pipeline_mode = #tpu.pipeline_mode<synchronous>, transform_indices = @transform_3, window_bounds = array<i64: 4, 64>}, {pipeline_mode = #tpu.pipeline_mode<synchronous>, transform_indices = @transform_4, window_bounds = array<i64: 1, 64>}, {pipeline_mode = #tpu.pipeline_mode<synchronous>, transform_indices = @transform_5, window_bounds = array<i64: 64, 64>}, {pipeline_mode = #tpu.pipeline_mode<synchronous>, transform_indices = @transform_6, window_bounds = array<i64: 1, 64>}, {pipeline_mode = #tpu.pipeline_mode<synchronous>, transform_indices = @transform_7, window_bounds = array<i64: 64, 128>}, {pipeline_mode = #tpu.pipeline_mode<synchronous>, transform_indices = @transform_8, window_bounds = array<i64: 1, 128>}, {pipeline_mode = #tpu.pipeline_mode<synchronous>, transform_indices = @transform_9, window_bounds = array<i64: 128, 256>}, {pipeline_mode = #tpu.pipeline_mode<synchronous>, transform_indices = @transform_10, window_bounds = array<i64: 128, 256>}, {pipeline_mode = #tpu.pipeline_mode<synchronous>, transform_indices = @transform_11, window_bounds = array<i64: 1, 256>}, {pipeline_mode = #tpu.pipeline_mode<synchronous>, transform_indices = @transform_12, window_bounds = array<i64: 128, 256>}, {pipeline_mode = #tpu.pipeline_mode<synchronous>, transform_indices = @transform_13, window_bounds = array<i64: 128, 256>}, {pipeline_mode = #tpu.pipeline_mode<synchronous>, transform_indices = @transform_14, window_bounds = array<i64: 1, 256>}, {transform_indices = @transform_15, window_bounds = array<i64: 1, 512, 3>}]} {
    %get3A = arith.constant 0 : index
    %get3A_0 = arith.constant 0 : index
    %get3A_1 = arith.constant 0 : index
    %get3A_2 = arith.constant 0 : index
    %get3A_3 = vector.load %arg2[%get3A, %get3A_0, %get3A_1, %get3A_2] : memref<1x17x512x256xf32, #tpu.memory_space<vmem>>, vector<1x17x512x256xf32>
    %get3A_4 = vector.shape_cast %get3A_3 : vector<1x17x512x256xf32> to vector<17x512x256xf32>
    %slice3A = vector.extract_strided_slice %get3A_4 {offsets = [0, 0, 0], sizes = [17, 512, 128], strides = [1, 1, 1]} : vector<17x512x256xf32> to vector<17x512x128xf32>
    %slice3A_5 = vector.extract_strided_slice %get3A_4 {offsets = [0, 0, 128], sizes = [17, 512, 4], strides = [1, 1, 1]} : vector<17x512x256xf32> to vector<17x512x4xf32>
    %get3A_6 = arith.constant 0 : index
    %get3A_7 = arith.constant 0 : index
    %get3A_8 = arith.constant 0 : index
    %get3A_9 = vector.load %arg3[%get3A_6, %get3A_7, %get3A_8] : memref<1x512x3xf32, #tpu.memory_space<vmem>>, vector<1x512x3xf32>
    %get3A_10 = vector.shape_cast %get3A_9 : vector<1x512x3xf32> to vector<512x3xf32>
    %reshape3A = vector.shape_cast %slice3A : vector<17x512x128xf32> to vector<8704x128xf32>
    %reshape3A_11 = vector.shape_cast %slice3A_5 : vector<17x512x4xf32> to vector<8704x4xf32>
    %get3A_12 = arith.constant 0 : index
    %get3A_13 = arith.constant 0 : index
    %get3A_14 = vector.load %arg4[%get3A_12, %get3A_13] : memref<3x64xf32, #tpu.memory_space<vmem>>, vector<3x64xf32>
    %dot_general3A = arith.constant dense<0.000000e+00> : vector<512x64xf32>
    %dot_general3A_15 = tpu.matmul %get3A_10, %get3A_14, %dot_general3A {dimension_numbers = #tpu.dot_dimension_numbers<[1], [0], [0], [1], [0, 0, 1, 1], [], []>, transpose_lhs_hint = false} : vector<512x3xf32>, vector<3x64xf32>, vector<512x64xf32> -> vector<512x64xf32>
    %get3A_16 = arith.constant 0 : index
    %get3A_17 = arith.constant 0 : index
    %get3A_18 = vector.load %arg6[%get3A_16, %get3A_17] : memref<1x64xf32, #tpu.memory_space<vmem>>, vector<1x64xf32>
    %add3A = vector.broadcast %get3A_18 : vector<1x64xf32> to vector<512x64xf32>
    %add3A_19 = arith.addf %dot_general3A_15, %add3A : vector<512x64xf32>
    %get3A_20 = arith.constant 0 : index
    %get3A_21 = arith.constant 0 : index
    %get3A_22 = vector.load %arg5[%get3A_20, %get3A_21] : memref<4x64xf32, #tpu.memory_space<vmem>>, vector<4x64xf32>
    %dot_general3A_23 = arith.constant dense<0.000000e+00> : vector<8704x64xf32>
    %dot_general3A_24 = tpu.matmul %reshape3A_11, %get3A_22, %dot_general3A_23 {dimension_numbers = #tpu.dot_dimension_numbers<[1], [0], [0], [1], [0, 0, 1, 1], [], []>, transpose_lhs_hint = false} : vector<8704x4xf32>, vector<4x64xf32>, vector<8704x64xf32> -> vector<8704x64xf32>
    %reshape3A_25 = vector.shape_cast %dot_general3A_24 : vector<8704x64xf32> to vector<17x512x64xf32>
    %broadcast_in_dim3A = vector.shape_cast %add3A_19 : vector<512x64xf32> to vector<1x512x64xf32>
    %add3A_26 = vector.broadcast %broadcast_in_dim3A : vector<1x512x64xf32> to vector<17x512x64xf32>
    %add3A_27 = arith.addf %reshape3A_25, %add3A_26 : vector<17x512x64xf32>
    %ge3A = arith.constant 0.000000e+00 : f32
    %ge3A_28 = vector.broadcast %ge3A : f32 to vector<17x512x64xf32>
    %ge3A_29 = arith.cmpf oge, %add3A_27, %ge3A_28 : vector<17x512x64xf32>
    %mul3A = arith.constant 0.00999999977 : f32
    %mul3A_30 = vector.broadcast %mul3A : f32 to vector<17x512x64xf32>
    %mul3A_31 = arith.mulf %mul3A_30, %add3A_27 : vector<17x512x64xf32>
    %select_n3A = arith.select %ge3A_29, %add3A_27, %mul3A_31 : vector<17x512x64xi1>, vector<17x512x64xf32>
    %reshape3A_32 = vector.shape_cast %select_n3A : vector<17x512x64xf32> to vector<8704x64xf32>
    %get3A_33 = arith.constant 0 : index
    %get3A_34 = arith.constant 0 : index
    %get3A_35 = vector.load %arg7[%get3A_33, %get3A_34] : memref<64x64xf32, #tpu.memory_space<vmem>>, vector<64x64xf32>
    %dot_general3A_36 = arith.constant dense<0.000000e+00> : vector<8704x64xf32>
    %dot_general3A_37 = tpu.matmul %reshape3A_32, %get3A_35, %dot_general3A_36 {dimension_numbers = #tpu.dot_dimension_numbers<[1], [0], [0], [1], [0, 0, 1, 1], [], []>, transpose_lhs_hint = false} : vector<8704x64xf32>, vector<64x64xf32>, vector<8704x64xf32> -> vector<8704x64xf32>
    %get3A_38 = arith.constant 0 : index
    %get3A_39 = arith.constant 0 : index
    %get3A_40 = vector.load %arg8[%get3A_38, %get3A_39] : memref<1x64xf32, #tpu.memory_space<vmem>>, vector<1x64xf32>
    %add3A_41 = vector.broadcast %get3A_40 : vector<1x64xf32> to vector<8704x64xf32>
    %add3A_42 = arith.addf %dot_general3A_37, %add3A_41 : vector<8704x64xf32>
    %ge3A_43 = arith.constant 0.000000e+00 : f32
    %ge3A_44 = vector.broadcast %ge3A_43 : f32 to vector<8704x64xf32>
    %ge3A_45 = arith.cmpf oge, %add3A_42, %ge3A_44 : vector<8704x64xf32>
    %mul3A_46 = arith.constant 0.00999999977 : f32
    %mul3A_47 = vector.broadcast %mul3A_46 : f32 to vector<8704x64xf32>
    %mul3A_48 = arith.mulf %mul3A_47, %add3A_42 : vector<8704x64xf32>
    %select_n3A_49 = arith.select %ge3A_45, %add3A_42, %mul3A_48 : vector<8704x64xi1>, vector<8704x64xf32>
    %get3A_50 = arith.constant 0 : index
    %get3A_51 = arith.constant 0 : index
    %get3A_52 = vector.load %arg9[%get3A_50, %get3A_51] : memref<64x128xf32, #tpu.memory_space<vmem>>, vector<64x128xf32>
    %dot_general3A_53 = arith.constant dense<0.000000e+00> : vector<8704x128xf32>
    %dot_general3A_54 = tpu.matmul %select_n3A_49, %get3A_52, %dot_general3A_53 {dimension_numbers = #tpu.dot_dimension_numbers<[1], [0], [0], [1], [0, 0, 1, 1], [], []>, transpose_lhs_hint = false} : vector<8704x64xf32>, vector<64x128xf32>, vector<8704x128xf32> -> vector<8704x128xf32>
    %get3A_55 = arith.constant 0 : index
    %get3A_56 = arith.constant 0 : index
    %get3A_57 = vector.load %arg10[%get3A_55, %get3A_56] : memref<1x128xf32, #tpu.memory_space<vmem>>, vector<1x128xf32>
    %add3A_58 = vector.broadcast %get3A_57 : vector<1x128xf32> to vector<8704x128xf32>
    %add3A_59 = arith.addf %dot_general3A_54, %add3A_58 : vector<8704x128xf32>
    %get3A_60 = arith.constant 0 : index
    %get3A_61 = arith.constant 0 : index
    %get3A_62 = vector.load %arg11[%get3A_60, %get3A_61] : memref<128x256xf32, #tpu.memory_space<vmem>>, vector<128x256xf32>
    %dot_general3A_63 = arith.constant dense<0.000000e+00> : vector<8704x256xf32>
    %dot_general3A_64 = tpu.matmul %reshape3A, %get3A_62, %dot_general3A_63 {dimension_numbers = #tpu.dot_dimension_numbers<[1], [0], [0], [1], [0, 0, 1, 1], [], []>, transpose_lhs_hint = false} : vector<8704x128xf32>, vector<128x256xf32>, vector<8704x256xf32> -> vector<8704x256xf32>
    %get3A_65 = arith.constant 0 : index
    %get3A_66 = arith.constant 0 : index
    %get3A_67 = vector.load %arg12[%get3A_65, %get3A_66] : memref<128x256xf32, #tpu.memory_space<vmem>>, vector<128x256xf32>
    %dot_general3A_68 = arith.constant dense<0.000000e+00> : vector<8704x256xf32>
    %dot_general3A_69 = tpu.matmul %add3A_59, %get3A_67, %dot_general3A_68 {dimension_numbers = #tpu.dot_dimension_numbers<[1], [0], [0], [1], [0, 0, 1, 1], [], []>, transpose_lhs_hint = false} : vector<8704x128xf32>, vector<128x256xf32>, vector<8704x256xf32> -> vector<8704x256xf32>
    %add3A_70 = arith.addf %dot_general3A_64, %dot_general3A_69 : vector<8704x256xf32>
    %get3A_71 = arith.constant 0 : index
    %get3A_72 = arith.constant 0 : index
    %get3A_73 = vector.load %arg13[%get3A_71, %get3A_72] : memref<1x256xf32, #tpu.memory_space<vmem>>, vector<1x256xf32>
    %add3A_74 = vector.broadcast %get3A_73 : vector<1x256xf32> to vector<8704x256xf32>
    %add3A_75 = arith.addf %add3A_70, %add3A_74 : vector<8704x256xf32>
    %slice3A_76 = vector.extract_strided_slice %get3A_4 {offsets = [0, 0, 0], sizes = [1, 512, 128], strides = [1, 1, 1]} : vector<17x512x256xf32> to vector<1x512x128xf32>
    %squeeze3A = vector.shape_cast %slice3A_76 : vector<1x512x128xf32> to vector<512x128xf32>
    %reshape3A_77 = vector.shape_cast %add3A_59 : vector<8704x128xf32> to vector<17x512x128xf32>
    %slice3A_78 = vector.extract_strided_slice %reshape3A_77 {offsets = [0, 0, 0], sizes = [1, 512, 128], strides = [1, 1, 1]} : vector<17x512x128xf32> to vector<1x512x128xf32>
    %squeeze3A_79 = vector.shape_cast %slice3A_78 : vector<1x512x128xf32> to vector<512x128xf32>
    %get3A_80 = arith.constant 0 : index
    %get3A_81 = arith.constant 0 : index
    %get3A_82 = vector.load %arg14[%get3A_80, %get3A_81] : memref<128x256xf32, #tpu.memory_space<vmem>>, vector<128x256xf32>
    %dot_general3A_83 = arith.constant dense<0.000000e+00> : vector<512x256xf32>
    %dot_general3A_84 = tpu.matmul %squeeze3A, %get3A_82, %dot_general3A_83 {dimension_numbers = #tpu.dot_dimension_numbers<[1], [0], [0], [1], [0, 0, 1, 1], [], []>, transpose_lhs_hint = false} : vector<512x128xf32>, vector<128x256xf32>, vector<512x256xf32> -> vector<512x256xf32>
    %get3A_85 = arith.constant 0 : index
    %get3A_86 = arith.constant 0 : index
    %get3A_87 = vector.load %arg15[%get3A_85, %get3A_86] : memref<128x256xf32, #tpu.memory_space<vmem>>, vector<128x256xf32>
    %dot_general3A_88 = arith.constant dense<0.000000e+00> : vector<512x256xf32>
    %dot_general3A_89 = tpu.matmul %squeeze3A_79, %get3A_87, %dot_general3A_88 {dimension_numbers = #tpu.dot_dimension_numbers<[1], [0], [0], [1], [0, 0, 1, 1], [], []>, transpose_lhs_hint = false} : vector<512x128xf32>, vector<128x256xf32>, vector<512x256xf32> -> vector<512x256xf32>
    %add3A_90 = arith.addf %dot_general3A_84, %dot_general3A_89 : vector<512x256xf32>
    %get3A_91 = arith.constant 0 : index
    %get3A_92 = arith.constant 0 : index
    %get3A_93 = vector.load %arg16[%get3A_91, %get3A_92] : memref<1x256xf32, #tpu.memory_space<vmem>>, vector<1x256xf32>
    %add3A_94 = vector.broadcast %get3A_93 : vector<1x256xf32> to vector<512x256xf32>
    %add3A_95 = arith.addf %add3A_90, %add3A_94 : vector<512x256xf32>
    %reshape3A_96 = vector.shape_cast %add3A_75 : vector<8704x256xf32> to vector<17x512x256xf32>
    %broadcast_in_dim3A_97 = vector.shape_cast %add3A_95 : vector<512x256xf32> to vector<1x512x256xf32>
    %mul3A_98 = vector.broadcast %broadcast_in_dim3A_97 : vector<1x512x256xf32> to vector<17x512x256xf32>
    %mul3A_99 = arith.mulf %reshape3A_96, %mul3A_98 : vector<17x512x256xf32>
    %reduce_sum3A = arith.constant dense<0.000000e+00> : vector<17x512xf32>
    %reduce_sum3A_100 = vector.multi_reduction <add>, %mul3A_99, %reduce_sum3A [2] : vector<17x512x256xf32> to vector<17x512xf32>
    %iota3A = tpu.iota {dimensions = array<i32: 0>} : vector<17x512xi32>
    %eq3A = arith.constant 0 : i32
    %eq3A_101 = vector.broadcast %eq3A : i32 to vector<17x512xi32>
    %eq3A_102 = arith.cmpi eq, %iota3A, %eq3A_101 : vector<17x512xi32>
    %jit3A = arith.constant -1.000000e+30 : f32
    %broadcast_in_dim3A_103 = vector.broadcast %jit3A : f32 to vector<17x512xf32>
    %select_n3A_104 = arith.select %eq3A_102, %broadcast_in_dim3A_103, %reduce_sum3A_100 : vector<17x512xi1>, vector<17x512xf32>
    %reduce_max3A = arith.constant dense<0xFF800000> : vector<512xf32>
    %reduce_max3A_105 = vector.multi_reduction <maximumf>, %select_n3A_104, %reduce_max3A [0] : vector<17x512xf32> to vector<512xf32>
    %broadcast_in_dim3A_106 = vector.shape_cast %reduce_max3A_105 : vector<512xf32> to vector<1x512xf32>
    %sub3A = vector.broadcast %broadcast_in_dim3A_106 : vector<1x512xf32> to vector<17x512xf32>
    %sub3A_107 = arith.subf %select_n3A_104, %sub3A : vector<17x512xf32>
    %exp3A = math.exp %sub3A_107 : vector<17x512xf32>
    %reduce_sum3A_108 = arith.constant dense<0.000000e+00> : vector<512xf32>
    %reduce_sum3A_109 = vector.multi_reduction <add>, %exp3A, %reduce_sum3A_108 [0] : vector<17x512xf32> to vector<512xf32>
    %broadcast_in_dim3A_110 = vector.shape_cast %reduce_sum3A_109 : vector<512xf32> to vector<1x512xf32>
    %div3A = vector.broadcast %broadcast_in_dim3A_110 : vector<1x512xf32> to vector<17x512xf32>
    %div3A_111 = arith.divf %exp3A, %div3A : vector<17x512xf32>
    %broadcast_in_dim3A_112 = vector.shape_cast %div3A_111 : vector<17x512xf32> to vector<17x512x1xf32>
    %mul3A_113 = vector.broadcast %broadcast_in_dim3A_112 : vector<17x512x1xf32> to vector<17x512x4xf32>
    %mul3A_114 = arith.mulf %mul3A_113, %slice3A_5 : vector<17x512x4xf32>
    %reduce_sum3A_115 = arith.constant dense<0.000000e+00> : vector<512x4xf32>
    %reduce_sum3A_116 = vector.multi_reduction <add>, %mul3A_114, %reduce_sum3A_115 [0] : vector<17x512x4xf32> to vector<512x4xf32>
    %slice3A_117 = vector.extract_strided_slice %reduce_sum3A_116 {offsets = [0, 0], sizes = [512, 3], strides = [1, 1]} : vector<512x4xf32> to vector<512x3xf32>
    %swap3A = arith.constant 0 : index
    %swap3A_118 = arith.constant 0 : index
    %swap3A_119 = arith.constant 0 : index
    %swap3A_120 = vector.load %arg17[%swap3A, %swap3A_118, %swap3A_119] : memref<1x512x3xf32, #tpu.memory_space<vmem>>, vector<1x512x3xf32>
    %swap3A_121 = vector.shape_cast %swap3A_120 : vector<1x512x3xf32> to vector<512x3xf32>
    %swap3A_122 = vector.shape_cast %slice3A_117 : vector<512x3xf32> to vector<1x512x3xf32>
    tpu.vector_store %arg17[%swap3A, %swap3A_118, %swap3A_119], %swap3A_122 {strides = array<i32>} : memref<1x512x3xf32, #tpu.memory_space<vmem>>, vector<1x512x3xf32>,
    return
  }
  func.func @transform_0(%arg0: i32, %arg1: i32) -> (i32, i32, i32, i32) {
    %c0_i32 = arith.constant 0 : i32
    %c0_i32_0 = arith.constant 0 : i32
    %c0_i32_1 = arith.constant 0 : i32
    return %arg0, %c0_i32, %arg1, %c0_i32_0 : i32, i32, i32, i32
  }
  func.func @transform_1(%arg0: i32, %arg1: i32) -> (i32, i32, i32) {
    %c0_i32 = arith.constant 0 : i32
    %c0_i32_0 = arith.constant 0 : i32
    return %arg0, %arg1, %c0_i32 : i32, i32, i32
  }
  func.func @transform_2(%arg0: i32, %arg1: i32) -> (i32, i32) {
    %c0_i32 = arith.constant 0 : i32
    %c0_i32_0 = arith.constant 0 : i32
    %c0_i32_1 = arith.constant 0 : i32
    return %c0_i32, %c0_i32_0 : i32, i32
  }
  func.func @transform_3(%arg0: i32, %arg1: i32) -> (i32, i32) {
    %c0_i32 = arith.constant 0 : i32
    %c0_i32_0 = arith.constant 0 : i32
    %c0_i32_1 = arith.constant 0 : i32
    return %c0_i32, %c0_i32_0 : i32, i32
  }
  func.func @transform_4(%arg0: i32, %arg1: i32) -> (i32, i32) {
    %c0_i32 = arith.constant 0 : i32
    %c0_i32_0 = arith.constant 0 : i32
    %c0_i32_1 = arith.constant 0 : i32
    return %c0_i32, %c0_i32_0 : i32, i32
  }
  func.func @transform_5(%arg0: i32, %arg1: i32) -> (i32, i32) {
    %c0_i32 = arith.constant 0 : i32
    %c0_i32_0 = arith.constant 0 : i32
    %c0_i32_1 = arith.constant 0 : i32
    return %c0_i32, %c0_i32_0 : i32, i32
  }
  func.func @transform_6(%arg0: i32, %arg1: i32) -> (i32, i32) {
    %c0_i32 = arith.constant 0 : i32
    %c0_i32_0 = arith.constant 0 : i32
    %c0_i32_1 = arith.constant 0 : i32
    return %c0_i32, %c0_i32_0 : i32, i32
  }
  func.func @transform_7(%arg0: i32, %arg1: i32) -> (i32, i32) {
    %c0_i32 = arith.constant 0 : i32
    %c0_i32_0 = arith.constant 0 : i32
    %c0_i32_1 = arith.constant 0 : i32
    return %c0_i32, %c0_i32_0 : i32, i32
  }
  func.func @transform_8(%arg0: i32, %arg1: i32) -> (i32, i32) {
    %c0_i32 = arith.constant 0 : i32
    %c0_i32_0 = arith.constant 0 : i32
    %c0_i32_1 = arith.constant 0 : i32
    return %c0_i32, %c0_i32_0 : i32, i32
  }
  func.func @transform_9(%arg0: i32, %arg1: i32) -> (i32, i32) {
    %c0_i32 = arith.constant 0 : i32
    %c0_i32_0 = arith.constant 0 : i32
    %c0_i32_1 = arith.constant 0 : i32
    return %c0_i32, %c0_i32_0 : i32, i32
  }
  func.func @transform_10(%arg0: i32, %arg1: i32) -> (i32, i32) {
    %c0_i32 = arith.constant 0 : i32
    %c0_i32_0 = arith.constant 0 : i32
    %c0_i32_1 = arith.constant 0 : i32
    return %c0_i32, %c0_i32_0 : i32, i32
  }
  func.func @transform_11(%arg0: i32, %arg1: i32) -> (i32, i32) {
    %c0_i32 = arith.constant 0 : i32
    %c0_i32_0 = arith.constant 0 : i32
    %c0_i32_1 = arith.constant 0 : i32
    return %c0_i32, %c0_i32_0 : i32, i32
  }
  func.func @transform_12(%arg0: i32, %arg1: i32) -> (i32, i32) {
    %c0_i32 = arith.constant 0 : i32
    %c0_i32_0 = arith.constant 0 : i32
    %c0_i32_1 = arith.constant 0 : i32
    return %c0_i32, %c0_i32_0 : i32, i32
  }
  func.func @transform_13(%arg0: i32, %arg1: i32) -> (i32, i32) {
    %c0_i32 = arith.constant 0 : i32
    %c0_i32_0 = arith.constant 0 : i32
    %c0_i32_1 = arith.constant 0 : i32
    return %c0_i32, %c0_i32_0 : i32, i32
  }
  func.func @transform_14(%arg0: i32, %arg1: i32) -> (i32, i32) {
    %c0_i32 = arith.constant 0 : i32
    %c0_i32_0 = arith.constant 0 : i32
    %c0_i32_1 = arith.constant 0 : i32
    return %c0_i32, %c0_i32_0 : i32, i32
  }
  func.func @transform_15(%arg0: i32, %arg1: i32) -> (i32, i32, i32) {
    %c0_i32 = arith.constant 0 : i32
    %c0_i32_0 = arith.constant 0 : i32
    return %arg0, %arg1, %c0_i32 : i32, i32, i32
  }
}

</mosaic_0001>

<sc_bundles>
// kernel: kernel.11.cloned.1.call-start
scs
__scs_entry_jumppad:
0x0: {  	(pc) =	sbr.rel $0x88, $3  }
0x1: {  	(tag) =	ssettag $0x0;
	lr =	simm.s32 $0x1  }
0x2: {  	[smem:$0x3F92] =	sst lr;
	_ =	strace $0xD0000000  }
0x3: {  	_ = 	snop  }
0x4: {  	_ = 	snop  }
0x5: {  	_ = 	snop  }
0x6: {  	_ = 	snop  }
0x7: {  	_ = 	snop  }
__scs_overlays_trampoline_lowered:
0x8: {  	[smem:$0x3FA1] =	sst s0  }
0x9: {  	[smem:$0x3FA2] =	sst s1  }
0xa: {  	[smem:$0x3FA3] =	sst s2  }
0xb: {  	[smem:$0x3FA4] =	sst s3  }
0xc: {  	[smem:$0x3FA5] =	sst s4  }
0xd: {  	[smem:$0x3FA6] =	sst s5  }
0xe: {  	[smem:$0x3FA7] =	sst s6  }
0xf: {  	[smem:$0x3FA8] =	sst s7  }
0x10: {  	[smem:$0x3FA9] =	sst s8  }
0x11: {  	[smem:$0x3FAA] =	sst s9;
	s0 =	simm.s32 @!p0 $0x0  }
0x12: {  	s1 =	sld [smem:$0x3F90];
	s0 =	simm.s32 @p0 $0x1  }
0x13: {  	[smem:$0x3FAB] =	sst s0;
	s0 =	simm.s32 @!p1 $0x0  }
0x14: {  	s2 =	sld [smem:$0x3F8F];
	s0 =	simm.s32 @p1 $0x1  }
0x15: {  	[smem:$0x3FAC] =	sst s0;
	s0 =	simm.s32 @!p2 $0x0  }
0x16: {  	s3 =	sld [smem:$0x3FDB];
	s0 =	simm.s32 @p2 $0x1  }
0x17: {  	s4 =	simm.s32 $0x1BF5;
	[smem:$0x3FAE] =	sst s0  }
0x18: {  	s0 =	sld [smem:$0x3F91];
	_ =	swait.ge [sflag:s4], $0x0  }
0x19: {  	s7 =	sld [smem:$0x3F92]  }
0x1a: {  	s8 =	sadd.s32 $0xFFFFE003, lr  }
0x1b: {  	s9 =	sadd.s32 $0xFFFFFEF7, lr;
	s5 =	simm.s32 $0xFFFFFFFF;
	p2 =	slt.u32 s8, $0xFFFFF086  }
0x1c: {  	p1 =	slt.u32 s9, $0xF7A;
	s5 =	simm.s32 @!p2 $0x0  }
0x1d: {  	s5 =	simm.s32 @p1 $0x1;
	p0 =	seq.s32 s7, s2  }
0x1e: {  	s7 =	smul.u32 @!p0 $0xF7A, s2;
	p2 =	seq.s32 @!p0 s5, $0x0  }
0x1f: {  	s9 =	smul.u32 $0xF7A, s1;
	s8 =	simm.s32 @!p0 $0x1BF5;
	p2 =	por !p2, p0  }
0x20: {  	[sflag:s8] =	ssyncset.s32 @!p0 $0xFFFFF086;
	s6 =	sadd.s32 @!p0 s3, s7;
	s7 =	simm.s32 @!p0 $0x108  }
0x21: {  	s3 =	sadd.s32 s3, s9;
	s6 =	sadd.s32 @!p0 $0x88, s6;
	s7 =	simm.s32 @p2 $0x1082  }
0x22: {  	[simem:s7], [sflag:s8] =	dma.local @!p0 [hbm:s6], $0xF7A  }
0x23: {  	s9 =	sor.u32 $0xD0000000, s2;
	s6 =	simm.s32 $0x108;
	_ =	swait.ge @!p0 [sflag:s8], $0x0  }
0x24: {  	s3 =	sadd.s32 $0x88, s3;
	s6 =	simm.s32 @!p1 $0x1082;
	[sflag:s4] =	ssyncset.s32 $0xFFFFF086  }
0x25: {  	[simem:s6], [sflag:s4] =	dma.local [hbm:s3], $0xF7A  }
0x26: {  	[smem:$0x3F92] =	sst s1;
	(tag) =	ssettag s2;
	_ =	strace s9  }
0x27: {  	s1 =	sld [smem:$0x3FA2]  }
0x28: {  	s2 =	sld [smem:$0x3FA3]  }
0x29: {  	s4 =	sld [smem:$0x3FA5]  }
0x2a: {  	p0 =	seq.s32 s5, $0x0;
	s5 =	sld [smem:$0x3FA6]  }
0x2b: {  	s6 =	sld [smem:$0x3FA7]  }
0x2c: {  	s7 =	sld [smem:$0x3FA8]  }
0x2d: {  	s3 =	simm.s32 $0x108;
	s8 =	sld [smem:$0x3FA9]  }
0x2e: {  	s3 =	simm.s32 @!p0 $0x1082;
	s9 =	sld [smem:$0x3FAA]  }
0x2f: {  	lr =	sadd.s32 s0, s3;
	s0 =	sld [smem:$0x3FA1]  }
0x30: {  	s3 =	sld [smem:$0x3FA4]  }
0x31: {  	[smem:$0x3FAD] =	sst s10  }
0x32: {  	s10 =	sld [smem:$0x3FAB];
	_ =	sdelay $0x3  }
0x33: {  	p0 =	seq.s32 s10, $0x1;
	s10 =	sld [smem:$0x3FAD];
	_ =	sdelay $0x3  }
0x34: {  	[smem:$0x3FAD] =	sst s10  }
0x35: {  	s10 =	sld [smem:$0x3FAC];
	_ =	sdelay $0x3  }
0x36: {  	p1 =	seq.s32 s10, $0x1;
	s10 =	sld [smem:$0x3FAD];
	_ =	sdelay $0x3  }
0x37: {  	[smem:$0x3FAD] =	sst s10  }
0x38: {  	s10 =	sld [smem:$0x3FAE]  }
0x39: {  	_ = 	snop;
	(pc) =	sbr.ind lr, $3  }
0x3a: {  	_ = 	snop  }
0x3b: {  	_ = 	snop  }
0x3c: {  	p2 =	seq.s32 s10, $0x1;
	s10 =	sld [smem:$0x3FAD]  }
0x3d: {  	_ =	shalt  }
0x3e: {  	_ =	shalt  }
0x3f: {  	_ =	shalt  }
0x40: {  	_ =	shalt  }
0x41: {  	_ =	shalt  }
0x42: {  	_ =	shalt  }
0x43: {  	_ =	shalt  }
0x44: {  	_ =	shalt  }
0x45: {  	_ =	shalt  }
0x46: {  	_ =	shalt  }
0x47: {  	_ =	shalt  }
0x48: {  	_ =	shalt  }
0x49: {  	_ =	shalt  }
0x4a: {  	_ =	shalt  }
0x4b: {  	_ =	shalt  }
0x4c: {  	_ =	shalt  }
0x4d: {  	_ =	shalt  }
0x4e: {  	_ =	shalt  }
0x4f: {  	_ =	shalt  }
0x50: {  	_ =	shalt  }
0x51: {  	_ =	shalt  }
0x52: {  	_ =	shalt  }
0x53: {  	_ =	shalt  }
0x54: {  	_ =	shalt  }
0x55: {  	_ =	shalt  }
0x56: {  	_ =	shalt  }
0x57: {  	_ =	shalt  }
0x58: {  	_ =	shalt  }
0x59: {  	_ =	shalt  }
0x5a: {  	_ =	shalt  }
0x5b: {  	_ =	shalt  }
0x5c: {  	_ =	shalt  }
0x5d: {  	_ =	shalt  }
0x5e: {  	_ =	shalt  }
0x5f: {  	_ =	shalt  }
0x60: {  	_ =	shalt  }
0x61: {  	_ =	shalt  }
0x62: {  	_ =	shalt  }
0x63: {  	_ =	shalt  }
0x64: {  	_ =	shalt  }
0x65: {  	_ =	shalt  }
0x66: {  	_ =	shalt  }
0x67: {  	_ =	shalt  }
0x68: {  	_ =	shalt  }
0x69: {  	_ =	shalt  }
0x6a: {  	_ =	shalt  }
0x6b: {  	_ =	shalt  }
0x6c: {  	_ =	shalt  }
0x6d: {  	_ =	shalt  }
0x6e: {  	_ =	shalt  }
0x6f: {  	_ =	shalt  }
0x70: {  	_ =	shalt  }
0x71: {  	_ =	shalt  }
0x72: {  	_ =	shalt  }
0x73: {  	_ =	shalt  }
0x74: {  	_ =	shalt  }
0x75: {  	_ =	shalt  }
0x76: {  	_ =	shalt  }
0x77: {  	_ =	shalt  }
0x78: {  	_ =	shalt  }
0x79: {  	_ =	shalt  }
0x7a: {  	_ =	shalt  }
0x7b: {  	_ =	shalt  }
0x7c: {  	_ =	shalt  }
0x7d: {  	_ =	shalt  }
0x7e: {  	_ =	shalt  }
0x7f: {  	_ =	shalt  }
0x80: {  	_ =	shalt  }
0x81: {  	_ =	shalt  }
0x82: {  	_ =	shalt  }
0x83: {  	_ =	shalt  }
0x84: {  	_ =	shalt  }
0x85: {  	_ =	shalt  }
0x86: {  	_ =	shalt  }
0x87: {  	_ =	shalt  }
.Lfunc_end0:
.L_simem_size_0:
called_computation.1_lowered:
.L_overlay_start_0:
0x88: {  	s2 =	sld [smem:$0x3FD9]  }
0x89: {  	s3 =	sld [smem:$0x3FFE];
	_ =	sdelay $0x1  }
0x8a: {  	s1 =	srdreg.scid  }
0x8b: {  	s0 =	sand.u32 $0x1, s1  }
0x8c: {  	s17 =	sshll.u32 s0, $0xA;
	s2 =	sadd.s32 s3, s2  }
0x8d: {  	s2 =	sadd.s32 s2, s17  }
0x8e: {  	[smem:$0x3FB9] =	sst s2  }
0x8f: {  	_ = 	snop  }
0x90: {  	(tm) =	ssettm $0x1  }
0x91: {  	s18 =	sld [smem:$0x3FFB];
	_ =	sdelay $0x3  }
0x92: {  	_ =	strace s18  }
0x93: {  	s2 =	sld [smem:$0x3FFC];
	_ =	sdelay $0x3  }
0x94: {  	_ =	strace s2  }
0x95: {  	s2 =	sld [smem:$0x3FFD];
	_ =	sdelay $0x3  }
0x96: {  	_ =	strace s2  }
0x97: {  	_ =	strace $0x8FFFFFFF  }
0x98: {  	s19 =	sld [smem:$0x3FDB];
	_ =	sdelay $0x1  }
0x99: {  	s20 =	simm.s32 $_scs_section_size  }
0x9a: {  	s4 =	simm.s32 $_size__tile_overlayer_lowered;
	s5 =	simm.s32 $_tile_overlayer_lowered  }
0x9b: {  	s6 =	simm.s32 $0x1BFF;
	s21 =	sshll.u32 s5, $0x1;
	s3 =	sadd.s32 s20, s19  }
0x9c: {  	s22 =	simm.s32 $0x0;
	s4 =	sshll.u32 s4, $0x1;
	s5 =	sadd.s32 s21, s3  }
0x9d: {  	[timem:s22], [sflag:s6] =	dma.local [hbm:s5], s4  }
0x9e: {  	_ =	swait.ge [sflag:s6], s4  }
0x9f: {  	s4 =	ssub.s32 $0x0, s4;
	[sflag:s6] =	ssyncset.done $0x0  }
0xa0: {  	[sflag:s6] =	ssyncadd.s32 s4;
	_ =	sdelay $0x1  }
0xa1: {  	s23 =	simm.s32 $0x1B8B  }
0xa2: {  	_ =	swait.ge [sflag:s23], $0x1  }
0xa3: {  	[sflag:s23] =	ssyncset.done $0x0  }
0xa4: {  	[sflag:s23] =	ssyncadd.s32 $0xFFFFFFFF  }
0xa5: {  	s4 =	sld [smem:$0x0]  }
0xa6: {  	s5 =	sand.u32 $0xFFFFFFFE, s1  }
0xa7: {  	p0 =	sne.s32 s1, s5  }
0xa8: {  	s5 =	sshll.u32 @p0 s5, $0xE  }
0xa9: {  	s5 =	sadd.s32 @p0 $0x11B8D, s5;
	s6 =	sshll.u32 @p0 s4, $0x11  }
0xaa: {  	s5 =	sor.u32 @p0 s6, s5  }
0xab: {  	[sflag:s5] =	ssyncadd.remote.s32 @p0 $0x1;
	_ =	sdelay $0x1  }
0xac: {  	s5 =	simm.s32 @p0 $0x1B8D  }
0xad: {  	_ =	swait.eq @p0 [sflag:s5], $0x1  }
0xae: {  	[sflag:s5] =	ssyncadd.s32 @p0 $0xFFFFFFFF  }
0xaf: {  	s6 =	sshll.u32 @!p0 s1, $0xE  }
0xb0: {  	s6 =	sor.u32 @!p0 $0x4000, s6;
	s5 =	simm.s32 @!p0 $0x1B8D  }
0xb1: {  	s4 =	sshll.u32 @!p0 s4, $0x11;
	s6 =	sadd.s32 @!p0 $0x11B8D, s6;
	_ =	swait.eq @!p0 [sflag:s5], $0x1  }
0xb2: {  	s4 =	sor.u32 @!p0 s4, s6;
	[sflag:s5] =	ssyncadd.s32 @!p0 $0xFFFFFFFF  }
0xb3: {  	s25 =	simm.s32 $0x1B8E;
	s24 =	sld [smem:$0x3FFE];
	[sflag:s4] =	ssyncadd.remote.s32 @!p0 $0x1  }
0xb4: {  	s26 =	simm.s32 $execute0_lowered;
	[smem:$0x3FD2] =	sst s25  }
0xb5: {  	s5 =	sshll.u32 s26, $0x1;
	_ =	strace $0x80000049;
	[dreg:$0x1] =	wrdreg $0xFFFFFFFF  }
0xb6: {  	s28 =	simm.s32 $_size_execute0_lowered;
	s3 =	sadd.s32 s3, s5;
	[dreg:$0x0] =	wrdreg $0x0  }
0xb7: {  	s5 =	sshll.u32 s28, $0x1;
	[dreg:$0x2] =	wrdreg s3  }
0xb8: {  	[dreg:$0x3] =	wrdreg s5  }
0xb9: {  	[dreg:$0x4] =	wrdreg $0xC0  }
0xba: {  	_ =	task [dreg:s22], $0x5FFFF  }
0xbb: {  	[dreg:$0x1] =	wrdreg $0xFFFFFFFF  }
0xbc: {  	[dreg:$0x0] =	wrdreg $0x60  }
0xbd: {  	[dreg:$0x2] =	wrdreg s24  }
0xbe: {  	[dreg:$0x3] =	wrdreg $0xA  }
0xbf: {  	_ =	task.clear_ibuf [dreg:s22], $0x4FFFF;
	_ =	strace $0x90000049  }
0xc0: {  	s29 =	simm.s32 $0xA;
	_ =	strace $0x8000004B  }
0xc1: {  	_ =	swait.ge [sflag:s29], $0x1  }
0xc2: {  	[sflag:s29] =	ssyncadd.s32 $0xFFFFFFFF  }
0xc3: {  	_ =	strace $0x9000004B  }
0xc4: {  	_ =	sfence  }
0xc5: {  	s30 =	sld [smem:$0x0];
	_ =	sdelay $0x2  }
0xc6: {  	s31 =	sshll.u32 s1, $0xD;
	s1 =	sshrl.u32 s1, $0x2  }
0xc7: {  	s4 =	sand.u32 $0x4000, s31;
	s1 =	sadd.s32 s1, s30  }
0xc8: {  	s0 =	sor.u32 s4, s0;
	s1 =	sshll.u32 s1, $0x11  }
0xc9: {  	s0 =	sor.u32 s1, s0  }
0xca: {  	s0 =	sadd.s32 $0x8F2B, s0  }
0xcb: {  	[sflag:s0] =	ssyncadd.remote.s32 $0x1  }
0xcc: {  	_ =	sfence.sel $0xFFFF  }
0xcd: {  	[dreg:$0x0] =	wrdreg $0xFFFFFFFF;
	(pc) =	sbr.abs _section_cstart, $3  }
0xce: {  	[dreg:$0x1] =	wrdreg $0xFFFFFFFF  }
0xcf: {  	_ =	task.clear_ibuf [dreg:s22], $0x2FFFF;
	_ =	strace $0x9FFFFFFF  }
0xd0: {  	(tm) =	ssettm $0x7FFFFFFF  }
0xd1: {  	_ =	shalt  }
tec
execute0_lowered:
.L_overlay_start_1:
0x0: {  	(tag) =	ssettag $0x1  }
0x1: {  	s0 =	srdreg.scid  }
0x2: {  	s10 =	stileid.u32;
	s1 =	rddreg [dreg:$0x0]  }
0x3: {  	s2 =	simm.s32 $0x0;
	s11 =	simm.s32 $0x2400;
	s15 =	simm.s32 $0x9400  }
0x4: {  	s12 =	simm.s32 $0x2C00;
	s16 =	simm.s32 $0x9C00;
	s13 =	simm.s32 $0x3400  }
0x5: {  	s17 =	simm.s32 $0xA400;
	s18 =	simm.s32 $0xAC00;
	s19 =	simm.s32 $0xB400  }
0x6: {  	s20 =	simm.s32 $0xBC00;
	s21 =	simm.s32 $0xC400;
	s22 =	simm.s32 $0xCC00  }
0x7: {  	s23 =	simm.s32 $0xD400;
	s24 =	simm.s32 $0xDC00;
	s25 =	simm.s32 $0xE400  }
0x8: {  	s26 =	simm.s32 $0xEC00;
	s28 =	simm.s32 $0xFC00;
	[smem:$0x7FF] =	sst s2  }
0x9: {  	s29 =	simm.s32 $0x10400;
	_ =	strace $0x8000004A;
	[dreg:$0x4] =	wrdreg s15  }
0xa: {  	s30 =	simm.s32 $0x2;
	s31 =	simm.s32 $0x0;
	[dreg:$0x5] =	wrdreg s16  }
0xb: {  	s0 =	sand.u32 $0x1, s0;
	s6 =	smul.u32 $0x110000, s10;
	[dreg:$0x6] =	wrdreg s17  }
0xc: {  	s3 =	sshll.u32 s10, $0x1;
	s10 =	smul.u32 $0x22000, s10;
	[dreg:$0x7] =	wrdreg s18  }
0xd: {  	s3 =	sor.u32 s0, s3;
	s8 =	smul.u32 $0x88000, s0;
	[dreg:$0x8] =	wrdreg s19  }
0xe: {  	s7 =	ssub.s32 $0x2, s0;
	s0 =	smul.u32 $0x11000, s0;
	[dreg:$0x9] =	wrdreg s20  }
0xf: {  	s15 =	simm.s32 $0x4400;
	s16 =	simm.s32 $0x4C00;
	[dreg:$0xa] =	wrdreg s21  }
0x10: {  	s17 =	simm.s32 $0x5400;
	s18 =	simm.s32 $0x5C00;
	[dreg:$0xb] =	wrdreg s22  }
0x11: {  	s19 =	simm.s32 $0x6400;
	s20 =	simm.s32 $0x6C00;
	[dreg:$0xc] =	wrdreg s23  }
0x12: {  	s21 =	simm.s32 $0x7400;
	[dreg:$0xd] =	wrdreg s24;
	s22 =	simm.s32 $0x7C00  }
0x13: {  	[dreg:$0xe] =	wrdreg s25;
	s23 =	simm.s32 $0x8400;
	s24 =	simm.s32 $0x1  }
0x14: {  	[dreg:$0xf] =	wrdreg s26;
	s25 =	simm.s32 $0x8C00;
	s4 =	smul.u32 $0x180, s3  }
0x15: {  	s26 =	simm.s32 $0xF400;
	s5 =	smul.u32 $0x88000, s3;
	s9 =	sshrl.u32 s7, $0x1  }
0x16: {  	s3 =	sadd.s32 $0x256800, s1;
	s7 =	ssub.s32 s7, s9;
	s6 =	sadd.s32 s8, s6  }
0x17: {  	s8 =	simm.s32 $0xC00;
	s9 =	simm.s32 $0x1400;
	s4 =	sadd.s32 s4, s1  }
0x18: {  	s1 =	sadd.s32 $0x279800, s1;
	s6 =	sshrl.u32 s6, $0x3;
	s5 =	sshrl.u32 s5, $0x3  }
0x19: {  	s4 =	sadd.s32 $0x276800, s4;
	s14 =	sadd.s32 s10, s1;
	s6 =	sadd.s32 s6, s1  }
0x1a: {  	s1 =	sadd.s32 s1, s5;
	s10 =	simm.s32 $0x1C00;
	[dreg:$0x10] =	wrdreg s4  }
0x1b: {  	v2 =	vlaneseq.u32;
	s0 =	sadd.s32 s0, s14;
	[dreg:$0x2] =	wrdreg s6;
	s1 =	sadd.s32 $0x10000, s1  }
0x1c: {  	vm0 =	vmmov $0xffff;
	v1 =	vshrl.u32 v2, $0x3;
	s6 =	smax.u32 s7, $0x1;
	s0 =	sadd.s32 $0x1000, s0;
	[dreg:$0x11] =	wrdreg s1  }
0x1d: {  	v0 =	vand.u32 $0x7, v2;
	v2 =	vor.u32 $0x8, v2;
	v1 =	vmul.u32 $0x8, v1;
	s7 =	simm.s32 $0x3;
	s14 =	simm.s32 $0x3C00;
	[dreg:$0x3] =	wrdreg s0  }
.LBB2_1:
0x1e: {  	s0 =	rddreg [dreg:$0x10]  }
0x1f: {  	[tilespmem:s2], [sflag:$0x3] =	stream.linear.gather [hbm4b:s0+s2], $0x880, $0x38;
	[tilespmem:$0x10C00] =	vst v63  }
0x20: {  	_ =	swait.ge [sflag:s7], $0x880  }
0x21: {  	[sflag:s7] =	ssyncset.done $0x0  }
0x22: {  	[sflag:s7] =	ssyncadd.s32 $0xFFFFF780  }
0x23: {  	v3 =	vld [tilespmem:$0x0];
	_ =	sdelay $0x4  }
0x24: {  	v4 =	vshll.u32 v3, $0x1  }
0x25: {  	v3 =	vand.u32 $0x7, v3;
	v4 =	vand.u32 $0xFFFFFFF0, v4  }
0x26: {  	v3 =	vor.u32 v3, v4  }
0x27: {  	v4 =	vperm.xlane v3, v0;
	_ =	sdelay $0x1  }
0x28: {  	v3 =	vperm.xlane v3, v2;
	v4 =	vadd.s32 v1, v4;
	_ =	sdelay $0x1  }
0x29: {  	v3 =	vadd.s32 v1, v3;
	_ =	sdelay $0x2  }
0x2a: {  	[tilespmem:s8], [sflag:$0x1] =	stream.indirect_vreg.gather [hbm4b:s3+s2], $0x80, v4, vm0, $0xb8;
	[tilespmem:$0x10C00] =	vst v63  }
0x2b: {  	_ = 	snop  }
0x2c: {  	[tilespmem:s9], [sflag:$0x1] =	stream.indirect_vreg.gather [hbm4b:s3+s2], $0x80, v3, vm0, $0xb8;
	[tilespmem:$0x10C00] =	vst v63  }
0x2d: {  	v3 =	vld [tilespmem:$0x10];
	_ =	sdelay $0x4  }
0x2e: {  	v57 =	vshll.u32 v3, $0x1  }
0x2f: {  	v3 =	vand.u32 $0x7, v3;
	v4 =	vand.u32 $0xFFFFFFF0, v57  }
0x30: {  	v3 =	vor.u32 v3, v4  }
0x31: {  	v4 =	vperm.xlane v3, v0;
	_ =	sdelay $0x1  }
0x32: {  	v3 =	vperm.xlane v3, v2;
	v4 =	vadd.s32 v1, v4;
	_ =	sdelay $0x1  }
0x33: {  	v3 =	vadd.s32 v1, v3;
	_ =	sdelay $0x2  }
0x34: {  	[tilespmem:s10], [sflag:$0x1] =	stream.indirect_vreg.gather [hbm4b:s3+s2], $0x80, v4, vm0, $0xb8;
	[tilespmem:$0x10C00] =	vst v63  }
0x35: {  	_ = 	snop  }
0x36: {  	[tilespmem:s11], [sflag:$0x1] =	stream.indirect_vreg.gather [hbm4b:s3+s2], $0x80, v3, vm0, $0xb8;
	[tilespmem:$0x10C00] =	vst v63  }
0x37: {  	v3 =	vld [tilespmem:$0x20];
	_ =	sdelay $0x4  }
0x38: {  	v58 =	vshll.u32 v3, $0x1  }
0x39: {  	v3 =	vand.u32 $0x7, v3;
	v4 =	vand.u32 $0xFFFFFFF0, v58  }
0x3a: {  	v3 =	vor.u32 v3, v4  }
0x3b: {  	v4 =	vperm.xlane v3, v0;
	_ =	sdelay $0x1  }
0x3c: {  	v3 =	vperm.xlane v3, v2;
	v4 =	vadd.s32 v1, v4;
	_ =	sdelay $0x1  }
0x3d: {  	v3 =	vadd.s32 v1, v3;
	_ =	sdelay $0x2  }
0x3e: {  	[tilespmem:s12], [sflag:$0x1] =	stream.indirect_vreg.gather [hbm4b:s3+s2], $0x80, v4, vm0, $0xb8;
	[tilespmem:$0x10C00] =	vst v63  }
0x3f: {  	_ = 	snop  }
0x40: {  	[tilespmem:s13], [sflag:$0x1] =	stream.indirect_vreg.gather [hbm4b:s3+s2], $0x80, v3, vm0, $0xb8;
	[tilespmem:$0x10C00] =	vst v63  }
0x41: {  	v3 =	vld [tilespmem:$0x30];
	_ =	sdelay $0x4  }
0x42: {  	v59 =	vshll.u32 v3, $0x1  }
0x43: {  	v3 =	vand.u32 $0x7, v3;
	v4 =	vand.u32 $0xFFFFFFF0, v59  }
0x44: {  	v3 =	vor.u32 v3, v4  }
0x45: {  	v4 =	vperm.xlane v3, v0;
	_ =	sdelay $0x1  }
0x46: {  	v3 =	vperm.xlane v3, v2;
	v4 =	vadd.s32 v1, v4;
	_ =	sdelay $0x1  }
0x47: {  	v3 =	vadd.s32 v1, v3;
	_ =	sdelay $0x2  }
0x48: {  	[tilespmem:s14], [sflag:$0x1] =	stream.indirect_vreg.gather [hbm4b:s3+s2], $0x80, v4, vm0, $0xb8;
	[tilespmem:$0x10C00] =	vst v63  }
0x49: {  	_ = 	snop  }
0x4a: {  	[tilespmem:s15], [sflag:$0x1] =	stream.indirect_vreg.gather [hbm4b:s3+s2], $0x80, v3, vm0, $0xb8;
	[tilespmem:$0x10C00] =	vst v63  }
0x4b: {  	v3 =	vld [tilespmem:$0x40];
	_ =	sdelay $0x4  }
0x4c: {  	v60 =	vshll.u32 v3, $0x1  }
0x4d: {  	v3 =	vand.u32 $0x7, v3;
	v4 =	vand.u32 $0xFFFFFFF0, v60  }
0x4e: {  	v3 =	vor.u32 v3, v4  }
0x4f: {  	v4 =	vperm.xlane v3, v0;
	_ =	sdelay $0x1  }
0x50: {  	v3 =	vperm.xlane v3, v2;
	v4 =	vadd.s32 v1, v4;
	_ =	sdelay $0x1  }
0x51: {  	v3 =	vadd.s32 v1, v3;
	_ =	sdelay $0x2  }
0x52: {  	[tilespmem:s16], [sflag:$0x1] =	stream.indirect_vreg.gather [hbm4b:s3+s2], $0x80, v4, vm0, $0xb8;
	[tilespmem:$0x10C00] =	vst v63  }
0x53: {  	_ = 	snop  }
0x54: {  	[tilespmem:s17], [sflag:$0x1] =	stream.indirect_vreg.gather [hbm4b:s3+s2], $0x80, v3, vm0, $0xb8;
	[tilespmem:$0x10C00] =	vst v63  }
0x55: {  	v3 =	vld [tilespmem:$0x50];
	_ =	sdelay $0x4  }
0x56: {  	v61 =	vshll.u32 v3, $0x1  }
0x57: {  	v3 =	vand.u32 $0x7, v3;
	v4 =	vand.u32 $0xFFFFFFF0, v61  }
0x58: {  	v3 =	vor.u32 v3, v4  }
0x59: {  	v4 =	vperm.xlane v3, v0;
	_ =	sdelay $0x1  }
0x5a: {  	v3 =	vperm.xlane v3, v2;
	v4 =	vadd.s32 v1, v4;
	_ =	sdelay $0x1  }
0x5b: {  	v3 =	vadd.s32 v1, v3;
	_ =	sdelay $0x2  }
0x5c: {  	[tilespmem:s18], [sflag:$0x1] =	stream.indirect_vreg.gather [hbm4b:s3+s2], $0x80, v4, vm0, $0xb8;
	[tilespmem:$0x10C00] =	vst v63  }
0x5d: {  	_ = 	snop  }
0x5e: {  	[tilespmem:s19], [sflag:$0x1] =	stream.indirect_vreg.gather [hbm4b:s3+s2], $0x80, v3, vm0, $0xb8;
	[tilespmem:$0x10C00] =	vst v63  }
0x5f: {  	v3 =	vld [tilespmem:$0x60];
	_ =	sdelay $0x4  }
0x60: {  	v62 =	vshll.u32 v3, $0x1  }
0x61: {  	v3 =	vand.u32 $0x7, v3;
	v4 =	vand.u32 $0xFFFFFFF0, v62  }
0x62: {  	v3 =	vor.u32 v3, v4  }
0x63: {  	v4 =	vperm.xlane v3, v0;
	_ =	sdelay $0x1  }
0x64: {  	v3 =	vperm.xlane v3, v2;
	v4 =	vadd.s32 v1, v4;
	_ =	sdelay $0x1  }
0x65: {  	v3 =	vadd.s32 v1, v3;
	_ =	sdelay $0x2  }
0x66: {  	[tilespmem:s20], [sflag:$0x1] =	stream.indirect_vreg.gather [hbm4b:s3+s2], $0x80, v4, vm0, $0xb8;
	[tilespmem:$0x10C00] =	vst v63  }
0x67: {  	_ = 	snop  }
0x68: {  	[tilespmem:s21], [sflag:$0x1] =	stream.indirect_vreg.gather [hbm4b:s3+s2], $0x80, v3, vm0, $0xb8;
	[tilespmem:$0x10C00] =	vst v63  }
0x69: {  	v3 =	vld [tilespmem:$0x70];
	_ =	sdelay $0x4  }
0x6a: {  	v63 =	vshll.u32 v3, $0x1  }
0x6b: {  	v3 =	vand.u32 $0x7, v3;
	v4 =	vand.u32 $0xFFFFFFF0, v63  }
0x6c: {  	v3 =	vor.u32 v3, v4  }
0x6d: {  	v4 =	vperm.xlane v3, v0;
	_ =	sdelay $0x1  }
0x6e: {  	v3 =	vperm.xlane v3, v2;
	v4 =	vadd.s32 v1, v4;
	_ =	sdelay $0x1  }
0x6f: {  	v3 =	vadd.s32 v1, v3;
	_ =	sdelay $0x2  }
0x70: {  	[tilespmem:s22], [sflag:$0x1] =	stream.indirect_vreg.gather [hbm4b:s3+s2], $0x80, v4, vm0, $0xb8;
	[tilespmem:$0x10C00] =	vst v63  }
0x71: {  	s1 =	simm.s32 $0xC0;
	s0 =	simm.s32 $0x0  }
0x72: {  	[tilespmem:s23], [sflag:$0x1] =	stream.indirect_vreg.gather [hbm4b:s3+s2], $0x80, v3, vm0, $0xb8;
	[tilespmem:$0x10C00] =	vst v63  }
.LBB2_2:
0x73: {  	_ =	swait.ge [sflag:s24], $0x8000  }
0x74: {  	p0 =	seq.s32 s0, $0x0;
	[sflag:s24] =	ssyncset.done $0x0  }
0x75: {  	s4 =	simm.s32 @!p0 $0x2;
	[sflag:s24] =	ssyncadd.s32 $0xFFFF8000  }
0x76: {  	_ =	swait.ge @!p0 [sflag:s4], $0x8000  }
0x77: {  	[sflag:s4] =	ssyncset.done @!p0 $0x0  }
0x78: {  	[sflag:s4] =	ssyncadd.s32 @!p0 $0xFFFF8000  }
0x79: {  	v3 =	vld [tilespmem:s1+$0xFFFFFFC0];
	_ =	sdelay $0x4  }
0x7a: {  	v4 =	vshll.u32 v3, $0x1  }
0x7b: {  	v3 =	vand.u32 $0x7, v3;
	v4 =	vand.u32 $0xFFFFFFF0, v4  }
0x7c: {  	v3 =	vor.u32 v3, v4  }
0x7d: {  	v4 =	vperm.xlane v3, v0;
	_ =	sdelay $0x1  }
0x7e: {  	v3 =	vperm.xlane v3, v2;
	v4 =	vadd.s32 v1, v4;
	_ =	sdelay $0x1  }
0x7f: {  	v3 =	vadd.s32 v1, v3;
	_ =	sdelay $0x2  }
0x80: {  	[tilespmem:s25], [sflag:$0x1] =	stream.indirect_vreg.gather [hbm4b:s3+s2], $0x80, v4, vm0, $0xb8;
	[tilespmem:$0x10C00] =	vst v63  }
0x81: {  	s5 =	rddreg [dreg:$0x4]  }
0x82: {  	[tilespmem:s5], [sflag:$0x1] =	stream.indirect_vreg.gather [hbm4b:s3+s2], $0x80, v3, vm0, $0xb8;
	[tilespmem:$0x10C00] =	vst v63  }
0x83: {  	v3 =	vld [tilespmem:s1+$0xFFFFFFD0];
	_ =	sdelay $0x4  }
0x84: {  	v49 =	vshll.u32 v3, $0x1  }
0x85: {  	v3 =	vand.u32 $0x7, v3;
	v4 =	vand.u32 $0xFFFFFFF0, v49  }
0x86: {  	v3 =	vor.u32 v3, v4  }
0x87: {  	v4 =	vperm.xlane v3, v0;
	_ =	sdelay $0x1  }
0x88: {  	v3 =	vperm.xlane v3, v2;
	v4 =	vadd.s32 v1, v4;
	_ =	sdelay $0x1  }
0x89: {  	v3 =	vadd.s32 v1, v3;
	_ =	sdelay $0x1  }
0x8a: {  	s4 =	rddreg [dreg:$0x5]  }
0x8b: {  	[tilespmem:s4], [sflag:$0x1] =	stream.indirect_vreg.gather [hbm4b:s3+s2], $0x80, v4, vm0, $0xb8;
	[tilespmem:$0x10C00] =	vst v63  }
0x8c: {  	s5 =	rddreg [dreg:$0x6]  }
0x8d: {  	[tilespmem:s5], [sflag:$0x1] =	stream.indirect_vreg.gather [hbm4b:s3+s2], $0x80, v3, vm0, $0xb8;
	[tilespmem:$0x10C00] =	vst v63  }
0x8e: {  	v3 =	vld [tilespmem:s1+$0xFFFFFFE0];
	_ =	sdelay $0x4  }
0x8f: {  	v50 =	vshll.u32 v3, $0x1  }
0x90: {  	v3 =	vand.u32 $0x7, v3;
	v4 =	vand.u32 $0xFFFFFFF0, v50  }
0x91: {  	v3 =	vor.u32 v3, v4  }
0x92: {  	v4 =	vperm.xlane v3, v0;
	_ =	sdelay $0x1  }
0x93: {  	v3 =	vperm.xlane v3, v2;
	v4 =	vadd.s32 v1, v4;
	_ =	sdelay $0x1  }
0x94: {  	v3 =	vadd.s32 v1, v3;
	_ =	sdelay $0x1  }
0x95: {  	s4 =	rddreg [dreg:$0x7]  }
0x96: {  	[tilespmem:s4], [sflag:$0x1] =	stream.indirect_vreg.gather [hbm4b:s3+s2], $0x80, v4, vm0, $0xb8;
	[tilespmem:$0x10C00] =	vst v63  }
0x97: {  	s5 =	rddreg [dreg:$0x8]  }
0x98: {  	[tilespmem:s5], [sflag:$0x1] =	stream.indirect_vreg.gather [hbm4b:s3+s2], $0x80, v3, vm0, $0xb8;
	[tilespmem:$0x10C00] =	vst v63  }
0x99: {  	v3 =	vld [tilespmem:s1+$0xFFFFFFF0];
	_ =	sdelay $0x4  }
0x9a: {  	v51 =	vshll.u32 v3, $0x1  }
0x9b: {  	v3 =	vand.u32 $0x7, v3;
	v4 =	vand.u32 $0xFFFFFFF0, v51  }
0x9c: {  	v3 =	vor.u32 v3, v4  }
0x9d: {  	v4 =	vperm.xlane v3, v0;
	_ =	sdelay $0x1  }
0x9e: {  	v3 =	vperm.xlane v3, v2;
	v4 =	vadd.s32 v1, v4;
	_ =	sdelay $0x1  }
0x9f: {  	v3 =	vadd.s32 v1, v3;
	_ =	sdelay $0x1  }
0xa0: {  	s4 =	rddreg [dreg:$0x9]  }
0xa1: {  	[tilespmem:s4], [sflag:$0x1] =	stream.indirect_vreg.gather [hbm4b:s3+s2], $0x80, v4, vm0, $0xb8;
	[tilespmem:$0x10C00] =	vst v63  }
0xa2: {  	s5 =	rddreg [dreg:$0xa]  }
0xa3: {  	[tilespmem:s5], [sflag:$0x1] =	stream.indirect_vreg.gather [hbm4b:s3+s2], $0x80, v3, vm0, $0xb8;
	[tilespmem:$0x10C00] =	vst v63  }
0xa4: {  	v3 =	vld [tilespmem:s1+$0x0];
	_ =	sdelay $0x4  }
0xa5: {  	v52 =	vshll.u32 v3, $0x1  }
0xa6: {  	v3 =	vand.u32 $0x7, v3;
	v4 =	vand.u32 $0xFFFFFFF0, v52  }
0xa7: {  	v3 =	vor.u32 v3, v4  }
0xa8: {  	v4 =	vperm.xlane v3, v0;
	_ =	sdelay $0x1  }
0xa9: {  	v3 =	vperm.xlane v3, v2;
	v4 =	vadd.s32 v1, v4;
	_ =	sdelay $0x1  }
0xaa: {  	v3 =	vadd.s32 v1, v3;
	_ =	sdelay $0x1  }
0xab: {  	s4 =	rddreg [dreg:$0xb]  }
0xac: {  	[tilespmem:s4], [sflag:$0x1] =	stream.indirect_vreg.gather [hbm4b:s3+s2], $0x80, v4, vm0, $0xb8;
	[tilespmem:$0x10C00] =	vst v63  }
0xad: {  	s5 =	rddreg [dreg:$0xc]  }
0xae: {  	[tilespmem:s5], [sflag:$0x1] =	stream.indirect_vreg.gather [hbm4b:s3+s2], $0x80, v3, vm0, $0xb8;
	[tilespmem:$0x10C00] =	vst v63  }
0xaf: {  	v3 =	vld [tilespmem:s1+$0x10];
	_ =	sdelay $0x4  }
0xb0: {  	v53 =	vshll.u32 v3, $0x1  }
0xb1: {  	v3 =	vand.u32 $0x7, v3;
	v4 =	vand.u32 $0xFFFFFFF0, v53  }
0xb2: {  	v3 =	vor.u32 v3, v4  }
0xb3: {  	v4 =	vperm.xlane v3, v0;
	_ =	sdelay $0x1  }
0xb4: {  	v3 =	vperm.xlane v3, v2;
	v4 =	vadd.s32 v1, v4;
	_ =	sdelay $0x1  }
0xb5: {  	v3 =	vadd.s32 v1, v3;
	_ =	sdelay $0x1  }
0xb6: {  	s4 =	rddreg [dreg:$0xd]  }
0xb7: {  	[tilespmem:s4], [sflag:$0x1] =	stream.indirect_vreg.gather [hbm4b:s3+s2], $0x80, v4, vm0, $0xb8;
	[tilespmem:$0x10C00] =	vst v63  }
0xb8: {  	s5 =	rddreg [dreg:$0xe]  }
0xb9: {  	[tilespmem:s5], [sflag:$0x1] =	stream.indirect_vreg.gather [hbm4b:s3+s2], $0x80, v3, vm0, $0xb8;
	[tilespmem:$0x10C00] =	vst v63  }
0xba: {  	v3 =	vld [tilespmem:s1+$0x20];
	_ =	sdelay $0x4  }
0xbb: {  	v54 =	vshll.u32 v3, $0x1  }
0xbc: {  	v3 =	vand.u32 $0x7, v3;
	v4 =	vand.u32 $0xFFFFFFF0, v54  }
0xbd: {  	v3 =	vor.u32 v3, v4  }
0xbe: {  	v4 =	vperm.xlane v3, v0;
	_ =	sdelay $0x1  }
0xbf: {  	v3 =	vperm.xlane v3, v2;
	v4 =	vadd.s32 v1, v4;
	_ =	sdelay $0x1  }
0xc0: {  	v3 =	vadd.s32 v1, v3;
	_ =	sdelay $0x1  }
0xc1: {  	s5 =	rddreg [dreg:$0xf]  }
0xc2: {  	[tilespmem:s5], [sflag:$0x1] =	stream.indirect_vreg.gather [hbm4b:s3+s2], $0x80, v4, vm0, $0xb8;
	[tilespmem:$0x10C00] =	vst v63  }
0xc3: {  	_ = 	snop  }
0xc4: {  	[tilespmem:s26], [sflag:$0x1] =	stream.indirect_vreg.gather [hbm4b:s3+s2], $0x80, v3, vm0, $0xb8;
	[tilespmem:$0x10C00] =	vst v63  }
0xc5: {  	v3 =	vld [tilespmem:s1+$0x30];
	_ =	sdelay $0x4  }
0xc6: {  	v55 =	vshll.u32 v3, $0x1  }
0xc7: {  	v3 =	vand.u32 $0x7, v3;
	v4 =	vand.u32 $0xFFFFFFF0, v55  }
0xc8: {  	v3 =	vor.u32 v3, v4  }
0xc9: {  	v4 =	vperm.xlane v3, v0;
	_ =	sdelay $0x1  }
0xca: {  	v3 =	vperm.xlane v3, v2;
	v4 =	vadd.s32 v1, v4;
	_ =	sdelay $0x1  }
0xcb: {  	v3 =	vadd.s32 v1, v3;
	_ =	sdelay $0x2  }
0xcc: {  	[tilespmem:s28], [sflag:$0x1] =	stream.indirect_vreg.gather [hbm4b:s3+s2], $0x80, v4, vm0, $0xb8;
	[tilespmem:$0x10C00] =	vst v63  }
0xcd: {  	s5 =	rddreg [dreg:$0x2]  }
0xce: {  	[tilespmem:s29], [sflag:$0x1] =	stream.indirect_vreg.gather [hbm4b:s3+s2], $0x80, v3, vm0, $0xb8;
	[tilespmem:$0x10C00] =	vst v63  }
0xcf: {  	s4 =	sadd.s32 s0, s5  }
0xd0: {  	[hbm4b:s4+s2] =	stream.linear.scatter [tilespmem:s8], [sflag:$0x2], $0x8000, $0x38;
	[tilespmem:$0x10C00] =	vst v63  }
0xd1: {  	_ =	swait.ge [sflag:s24], $0x8000  }
0xd2: {  	[sflag:s24] =	ssyncset.done $0x0  }
0xd3: {  	[sflag:s24] =	ssyncadd.s32 $0xFFFF8000  }
0xd4: {  	_ =	swait.ge [sflag:s30], $0x8000  }
0xd5: {  	[sflag:s30] =	ssyncset.done $0x0  }
0xd6: {  	[sflag:s30] =	ssyncadd.s32 $0xFFFF8000  }
0xd7: {  	v3 =	vld [tilespmem:s1+$0x40];
	_ =	sdelay $0x4  }
0xd8: {  	v56 =	vshll.u32 v3, $0x1  }
0xd9: {  	v3 =	vand.u32 $0x7, v3;
	v4 =	vand.u32 $0xFFFFFFF0, v56  }
0xda: {  	v3 =	vor.u32 v3, v4  }
0xdb: {  	v4 =	vperm.xlane v3, v0;
	_ =	sdelay $0x1  }
0xdc: {  	v3 =	vperm.xlane v3, v2;
	v4 =	vadd.s32 v1, v4;
	_ =	sdelay $0x1  }
0xdd: {  	v3 =	vadd.s32 v1, v3;
	_ =	sdelay $0x2  }
0xde: {  	[tilespmem:s8], [sflag:$0x1] =	stream.indirect_vreg.gather [hbm4b:s3+s2], $0x80, v4, vm0, $0xb8;
	[tilespmem:$0x10C00] =	vst v63  }
0xdf: {  	_ = 	snop  }
0xe0: {  	[tilespmem:s9], [sflag:$0x1] =	stream.indirect_vreg.gather [hbm4b:s3+s2], $0x80, v3, vm0, $0xb8;
	[tilespmem:$0x10C00] =	vst v63  }
0xe1: {  	v3 =	vld [tilespmem:s1+$0x50];
	_ =	sdelay $0x4  }
0xe2: {  	v57 =	vshll.u32 v3, $0x1  }
0xe3: {  	v3 =	vand.u32 $0x7, v3;
	v4 =	vand.u32 $0xFFFFFFF0, v57  }
0xe4: {  	v3 =	vor.u32 v3, v4  }
0xe5: {  	v4 =	vperm.xlane v3, v0;
	_ =	sdelay $0x1  }
0xe6: {  	v3 =	vperm.xlane v3, v2;
	v4 =	vadd.s32 v1, v4;
	_ =	sdelay $0x1  }
0xe7: {  	v3 =	vadd.s32 v1, v3;
	_ =	sdelay $0x2  }
0xe8: {  	[tilespmem:s10], [sflag:$0x1] =	stream.indirect_vreg.gather [hbm4b:s3+s2], $0x80, v4, vm0, $0xb8;
	[tilespmem:$0x10C00] =	vst v63  }
0xe9: {  	_ = 	snop  }
0xea: {  	[tilespmem:s11], [sflag:$0x1] =	stream.indirect_vreg.gather [hbm4b:s3+s2], $0x80, v3, vm0, $0xb8;
	[tilespmem:$0x10C00] =	vst v63  }
0xeb: {  	v3 =	vld [tilespmem:s1+$0x60];
	_ =	sdelay $0x4  }
0xec: {  	v58 =	vshll.u32 v3, $0x1  }
0xed: {  	v3 =	vand.u32 $0x7, v3;
	v4 =	vand.u32 $0xFFFFFFF0, v58  }
0xee: {  	v3 =	vor.u32 v3, v4  }
0xef: {  	v4 =	vperm.xlane v3, v0;
	_ =	sdelay $0x1  }
0xf0: {  	v3 =	vperm.xlane v3, v2;
	v4 =	vadd.s32 v1, v4;
	_ =	sdelay $0x1  }
0xf1: {  	v3 =	vadd.s32 v1, v3;
	_ =	sdelay $0x2  }
0xf2: {  	[tilespmem:s12], [sflag:$0x1] =	stream.indirect_vreg.gather [hbm4b:s3+s2], $0x80, v4, vm0, $0xb8;
	[tilespmem:$0x10C00] =	vst v63  }
0xf3: {  	_ = 	snop  }
0xf4: {  	[tilespmem:s13], [sflag:$0x1] =	stream.indirect_vreg.gather [hbm4b:s3+s2], $0x80, v3, vm0, $0xb8;
	[tilespmem:$0x10C00] =	vst v63  }
0xf5: {  	v3 =	vld [tilespmem:s1+$0x70];
	_ =	sdelay $0x4  }
0xf6: {  	v59 =	vshll.u32 v3, $0x1  }
0xf7: {  	v3 =	vand.u32 $0x7, v3;
	v4 =	vand.u32 $0xFFFFFFF0, v59  }
0xf8: {  	v3 =	vor.u32 v3, v4  }
0xf9: {  	v4 =	vperm.xlane v3, v0;
	_ =	sdelay $0x1  }
0xfa: {  	v3 =	vperm.xlane v3, v2;
	v4 =	vadd.s32 v1, v4;
	_ =	sdelay $0x1  }
0xfb: {  	v3 =	vadd.s32 v1, v3;
	_ =	sdelay $0x2  }
0xfc: {  	[tilespmem:s14], [sflag:$0x1] =	stream.indirect_vreg.gather [hbm4b:s3+s2], $0x80, v4, vm0, $0xb8;
	[tilespmem:$0x10C00] =	vst v63  }
0xfd: {  	_ = 	snop  }
0xfe: {  	[tilespmem:s15], [sflag:$0x1] =	stream.indirect_vreg.gather [hbm4b:s3+s2], $0x80, v3, vm0, $0xb8;
	[tilespmem:$0x10C00] =	vst v63  }
0xff: {  	v3 =	vld [tilespmem:s1+$0x80];
	_ =	sdelay $0x4  }
0x100: {  	v60 =	vshll.u32 v3, $0x1  }
0x101: {  	v3 =	vand.u32 $0x7, v3;
	v4 =	vand.u32 $0xFFFFFFF0, v60  }
0x102: {  	v3 =	vor.u32 v3, v4  }
0x103: {  	v4 =	vperm.xlane v3, v0;
	_ =	sdelay $0x1  }
0x104: {  	v3 =	vperm.xlane v3, v2;
	v4 =	vadd.s32 v1, v4;
	_ =	sdelay $0x1  }
0x105: {  	v3 =	vadd.s32 v1, v3;
	_ =	sdelay $0x2  }
0x106: {  	[tilespmem:s16], [sflag:$0x1] =	stream.indirect_vreg.gather [hbm4b:s3+s2], $0x80, v4, vm0, $0xb8;
	[tilespmem:$0x10C00] =	vst v63  }
0x107: {  	_ = 	snop  }
0x108: {  	[tilespmem:s17], [sflag:$0x1] =	stream.indirect_vreg.gather [hbm4b:s3+s2], $0x80, v3, vm0, $0xb8;
	[tilespmem:$0x10C00] =	vst v63  }
0x109: {  	v3 =	vld [tilespmem:s1+$0x90];
	_ =	sdelay $0x4  }
0x10a: {  	v61 =	vshll.u32 v3, $0x1  }
0x10b: {  	v3 =	vand.u32 $0x7, v3;
	v4 =	vand.u32 $0xFFFFFFF0, v61  }
0x10c: {  	v3 =	vor.u32 v3, v4  }
0x10d: {  	v4 =	vperm.xlane v3, v0;
	_ =	sdelay $0x1  }
0x10e: {  	v3 =	vperm.xlane v3, v2;
	v4 =	vadd.s32 v1, v4;
	_ =	sdelay $0x1  }
0x10f: {  	v3 =	vadd.s32 v1, v3;
	_ =	sdelay $0x2  }
0x110: {  	[tilespmem:s18], [sflag:$0x1] =	stream.indirect_vreg.gather [hbm4b:s3+s2], $0x80, v4, vm0, $0xb8;
	[tilespmem:$0x10C00] =	vst v63  }
0x111: {  	_ = 	snop  }
0x112: {  	[tilespmem:s19], [sflag:$0x1] =	stream.indirect_vreg.gather [hbm4b:s3+s2], $0x80, v3, vm0, $0xb8;
	[tilespmem:$0x10C00] =	vst v63  }
0x113: {  	v3 =	vld [tilespmem:s1+$0xA0];
	_ =	sdelay $0x4  }
0x114: {  	v62 =	vshll.u32 v3, $0x1  }
0x115: {  	v3 =	vand.u32 $0x7, v3;
	v4 =	vand.u32 $0xFFFFFFF0, v62  }
0x116: {  	v3 =	vor.u32 v3, v4  }
0x117: {  	v4 =	vperm.xlane v3, v0;
	_ =	sdelay $0x1  }
0x118: {  	v3 =	vperm.xlane v3, v2;
	v4 =	vadd.s32 v1, v4;
	_ =	sdelay $0x1  }
0x119: {  	v3 =	vadd.s32 v1, v3;
	_ =	sdelay $0x2  }
0x11a: {  	[tilespmem:s20], [sflag:$0x1] =	stream.indirect_vreg.gather [hbm4b:s3+s2], $0x80, v4, vm0, $0xb8;
	[tilespmem:$0x10C00] =	vst v63  }
0x11b: {  	_ = 	snop  }
0x11c: {  	[tilespmem:s21], [sflag:$0x1] =	stream.indirect_vreg.gather [hbm4b:s3+s2], $0x80, v3, vm0, $0xb8;
	[tilespmem:$0x10C00] =	vst v63  }
0x11d: {  	v3 =	vld [tilespmem:s1+$0xB0];
	_ =	sdelay $0x4  }
0x11e: {  	v63 =	vshll.u32 v3, $0x1  }
0x11f: {  	v3 =	vand.u32 $0x7, v3;
	v4 =	vand.u32 $0xFFFFFFF0, v63  }
0x120: {  	v3 =	vor.u32 v3, v4  }
0x121: {  	v4 =	vperm.xlane v3, v0;
	_ =	sdelay $0x1  }
0x122: {  	v4 =	vadd.s32 v1, v4  }
0x123: {  	v3 =	vperm.xlane v3, v2  }
0x124: {  	s5 =	rddreg [dreg:$0x3]  }
0x125: {  	s4 =	sadd.s32 s0, s5;
	s0 =	sadd.s32 $0x2000, s0;
	v3 =	vadd.s32 v1, v3  }
0x126: {  	p0 =	sne.s32 s0, $0x10000  }
0x127: {  	[tilespmem:s22], [sflag:$0x1] =	stream.indirect_vreg.gather [hbm4b:s3+s2], $0x80, v4, vm0, $0xb8;
	[tilespmem:$0x10C00] =	vst v63  }
.Ltmp0:
0x128: {  	_ = 	snop;
	(pc) =	sbr.rel @p0 .LBB2_2-.Ltmp0, $4  }
0x129: {  	_ = 	snop  }
0x12a: {  	[tilespmem:s23], [sflag:$0x1] =	stream.indirect_vreg.gather [hbm4b:s3+s2], $0x80, v3, vm0, $0xb8;
	[tilespmem:$0x10C00] =	vst v63  }
0x12b: {  	s1 =	sadd.s32 $0x100, s1  }
0x12c: {  	[hbm4b:s4+s2] =	stream.linear.scatter [tilespmem:s25], [sflag:$0x2], $0x8000, $0x38;
	[tilespmem:$0x10C00] =	vst v63  }
0x12d: {  	_ =	swait.ge [sflag:s24], $0x8000  }
0x12e: {  	[sflag:s24] =	ssyncset.done $0x0  }
0x12f: {  	[sflag:s24] =	ssyncadd.s32 $0xFFFF8000  }
0x130: {  	s31 =	sadd.s32 $0x1, s31;
	_ =	swait.ge [sflag:s30], $0x8000  }
0x131: {  	p0 =	sne.s32 s31, s6;
	[sflag:s30] =	ssyncset.done $0x0  }
.Ltmp1:
0x132: {  	s0 =	rddreg [dreg:$0x11];
	[sflag:s30] =	ssyncadd.s32 $0xFFFF8000;
	(pc) =	sbr.rel @p0 .LBB2_1-.Ltmp1, $4  }
0x133: {  	[hbm4b:s0+s2] =	stream.linear.scatter [tilespmem:s8], [sflag:$0x3], $0x8000, $0x38;
	[tilespmem:$0x10C00] =	vst v63  }
0x134: {  	_ =	swait.ge [sflag:s7], $0x8000  }
0x135: {  	[sflag:s7] =	ssyncset.done $0x0  }
0x136: {  	[sflag:s7] =	ssyncadd.s32 $0xFFFF8000  }
0x137: {  	_ =	sfence.sel $0x180000  }
0x138: {  	[bflag:$0x0] =	sbarrier.arrive $0xFFFF  }
0x139: {  	_ =	strace $0x9000004A  }
0x13a: {  	s0 =	stileid.u32;
	[bflag:$0x2] =	sbarrier.arrive $0xFFFF  }
0x13b: {  	p0 =	sne.s32 s0, $0x0;
	s0 =	rddreg [dreg:$0x1]  }
0x13c: {  	s0 =	sadd.s32 @!p0 $0x100000, s0  }
0x13d: {  	[sflag:s0] =	ssyncadd.tile.s32 @!p0 $0x1;
	_ =	shalt  }
.Lfunc_end2:
_tile_overlayer_lowered:
.L_overlay_start_2:
0x13e: {  	(tag) =	ssettag $0x2  }
0x13f: {  	s0 =	rddreg [dreg:$0x0];
	s2 =	stileid.u32  }
0x140: {  	s1 =	rddreg [dreg:$0x1];
	p0 =	sne.s32 s2, $0x0  }
0x141: {  	s3 =	rddreg [dreg:$0x2];
	[bflag:$0x3] =	sbarrier.arrive $0xFFFF;
	s2 =	simm.s32 @!p0 $0x1C03  }
0x142: {  	[timem:s3], [sflag:s2] =	dma.local @!p0 [hbm:s0], s1  }
0x143: {  	s0 =	simm.s32 @!p0 $0x3  }
0x144: {  	_ =	swait.ge @!p0 [sflag:s0], s1  }
0x145: {  	s1 =	ssub.s32 @!p0 $0x0, s1;
	[sflag:s0] =	ssyncset.done @!p0 $0x0  }
0x146: {  	[sflag:s0] =	ssyncadd.s32 @!p0 s1  }
0x147: {  	[bflag:$0x3] =	sbarrier.arrive $0xFFFF  }
0x148: {  	_ =	shalt  }

// kernel: kernel.8.cloned.1.call-start
scs
__scs_entry_jumppad:
0x0: {  	(pc) =	sbr.rel $0x88, $3  }
0x1: {  	(tag) =	ssettag $0x0;
	lr =	simm.s32 $0x1  }
0x2: {  	[smem:$0x3F92] =	sst lr;
	_ =	strace $0xD0000000  }
0x3: {  	_ = 	snop  }
0x4: {  	_ = 	snop  }
0x5: {  	_ = 	snop  }
0x6: {  	_ = 	snop  }
0x7: {  	_ = 	snop  }
__scs_overlays_trampoline_lowered:
0x8: {  	[smem:$0x3FA1] =	sst s0  }
0x9: {  	[smem:$0x3FA2] =	sst s1  }
0xa: {  	[smem:$0x3FA3] =	sst s2  }
0xb: {  	[smem:$0x3FA4] =	sst s3  }
0xc: {  	[smem:$0x3FA5] =	sst s4  }
0xd: {  	[smem:$0x3FA6] =	sst s5  }
0xe: {  	[smem:$0x3FA7] =	sst s6  }
0xf: {  	[smem:$0x3FA8] =	sst s7  }
0x10: {  	[smem:$0x3FA9] =	sst s8  }
0x11: {  	[smem:$0x3FAA] =	sst s9;
	s0 =	simm.s32 @!p0 $0x0  }
0x12: {  	s1 =	sld [smem:$0x3F90];
	s0 =	simm.s32 @p0 $0x1  }
0x13: {  	[smem:$0x3FAB] =	sst s0;
	s0 =	simm.s32 @!p1 $0x0  }
0x14: {  	s2 =	sld [smem:$0x3F8F];
	s0 =	simm.s32 @p1 $0x1  }
0x15: {  	[smem:$0x3FAC] =	sst s0;
	s0 =	simm.s32 @!p2 $0x0  }
0x16: {  	s3 =	sld [smem:$0x3FDB];
	s0 =	simm.s32 @p2 $0x1  }
0x17: {  	s4 =	simm.s32 $0x1BF5;
	[smem:$0x3FAE] =	sst s0  }
0x18: {  	s0 =	sld [smem:$0x3F91];
	_ =	swait.ge [sflag:s4], $0x0  }
0x19: {  	s7 =	sld [smem:$0x3F92]  }
0x1a: {  	s8 =	sadd.s32 $0xFFFFE003, lr  }
0x1b: {  	s9 =	sadd.s32 $0xFFFFFEF7, lr;
	s5 =	simm.s32 $0xFFFFFFFF;
	p2 =	slt.u32 s8, $0xFFFFF086  }
0x1c: {  	p1 =	slt.u32 s9, $0xF7A;
	s5 =	simm.s32 @!p2 $0x0  }
0x1d: {  	s5 =	simm.s32 @p1 $0x1;
	p0 =	seq.s32 s7, s2  }
0x1e: {  	s7 =	smul.u32 @!p0 $0xF7A, s2;
	p2 =	seq.s32 @!p0 s5, $0x0  }
0x1f: {  	s9 =	smul.u32 $0xF7A, s1;
	s8 =	simm.s32 @!p0 $0x1BF5;
	p2 =	por !p2, p0  }
0x20: {  	[sflag:s8] =	ssyncset.s32 @!p0 $0xFFFFF086;
	s6 =	sadd.s32 @!p0 s3, s7;
	s7 =	simm.s32 @!p0 $0x108  }
0x21: {  	s3 =	sadd.s32 s3, s9;
	s6 =	sadd.s32 @!p0 $0x88, s6;
	s7 =	simm.s32 @p2 $0x1082  }
0x22: {  	[simem:s7], [sflag:s8] =	dma.local @!p0 [hbm:s6], $0xF7A  }
0x23: {  	s9 =	sor.u32 $0xD0000000, s2;
	s6 =	simm.s32 $0x108;
	_ =	swait.ge @!p0 [sflag:s8], $0x0  }
0x24: {  	s3 =	sadd.s32 $0x88, s3;
	s6 =	simm.s32 @!p1 $0x1082;
	[sflag:s4] =	ssyncset.s32 $0xFFFFF086  }
0x25: {  	[simem:s6], [sflag:s4] =	dma.local [hbm:s3], $0xF7A  }
0x26: {  	[smem:$0x3F92] =	sst s1;
	(tag) =	ssettag s2;
	_ =	strace s9  }
0x27: {  	s1 =	sld [smem:$0x3FA2]  }
0x28: {  	s2 =	sld [smem:$0x3FA3]  }
0x29: {  	s4 =	sld [smem:$0x3FA5]  }
0x2a: {  	p0 =	seq.s32 s5, $0x0;
	s5 =	sld [smem:$0x3FA6]  }
0x2b: {  	s6 =	sld [smem:$0x3FA7]  }
0x2c: {  	s7 =	sld [smem:$0x3FA8]  }
0x2d: {  	s3 =	simm.s32 $0x108;
	s8 =	sld [smem:$0x3FA9]  }
0x2e: {  	s3 =	simm.s32 @!p0 $0x1082;
	s9 =	sld [smem:$0x3FAA]  }
0x2f: {  	lr =	sadd.s32 s0, s3;
	s0 =	sld [smem:$0x3FA1]  }
0x30: {  	s3 =	sld [smem:$0x3FA4]  }
0x31: {  	[smem:$0x3FAD] =	sst s10  }
0x32: {  	s10 =	sld [smem:$0x3FAB];
	_ =	sdelay $0x3  }
0x33: {  	p0 =	seq.s32 s10, $0x1;
	s10 =	sld [smem:$0x3FAD];
	_ =	sdelay $0x3  }
0x34: {  	[smem:$0x3FAD] =	sst s10  }
0x35: {  	s10 =	sld [smem:$0x3FAC];
	_ =	sdelay $0x3  }
0x36: {  	p1 =	seq.s32 s10, $0x1;
	s10 =	sld [smem:$0x3FAD];
	_ =	sdelay $0x3  }
0x37: {  	[smem:$0x3FAD] =	sst s10  }
0x38: {  	s10 =	sld [smem:$0x3FAE]  }
0x39: {  	_ = 	snop;
	(pc) =	sbr.ind lr, $3  }
0x3a: {  	_ = 	snop  }
0x3b: {  	_ = 	snop  }
0x3c: {  	p2 =	seq.s32 s10, $0x1;
	s10 =	sld [smem:$0x3FAD]  }
0x3d: {  	_ =	shalt  }
0x3e: {  	_ =	shalt  }
0x3f: {  	_ =	shalt  }
0x40: {  	_ =	shalt  }
0x41: {  	_ =	shalt  }
0x42: {  	_ =	shalt  }
0x43: {  	_ =	shalt  }
0x44: {  	_ =	shalt  }
0x45: {  	_ =	shalt  }
0x46: {  	_ =	shalt  }
0x47: {  	_ =	shalt  }
0x48: {  	_ =	shalt  }
0x49: {  	_ =	shalt  }
0x4a: {  	_ =	shalt  }
0x4b: {  	_ =	shalt  }
0x4c: {  	_ =	shalt  }
0x4d: {  	_ =	shalt  }
0x4e: {  	_ =	shalt  }
0x4f: {  	_ =	shalt  }
0x50: {  	_ =	shalt  }
0x51: {  	_ =	shalt  }
0x52: {  	_ =	shalt  }
0x53: {  	_ =	shalt  }
0x54: {  	_ =	shalt  }
0x55: {  	_ =	shalt  }
0x56: {  	_ =	shalt  }
0x57: {  	_ =	shalt  }
0x58: {  	_ =	shalt  }
0x59: {  	_ =	shalt  }
0x5a: {  	_ =	shalt  }
0x5b: {  	_ =	shalt  }
0x5c: {  	_ =	shalt  }
0x5d: {  	_ =	shalt  }
0x5e: {  	_ =	shalt  }
0x5f: {  	_ =	shalt  }
0x60: {  	_ =	shalt  }
0x61: {  	_ =	shalt  }
0x62: {  	_ =	shalt  }
0x63: {  	_ =	shalt  }
0x64: {  	_ =	shalt  }
0x65: {  	_ =	shalt  }
0x66: {  	_ =	shalt  }
0x67: {  	_ =	shalt  }
0x68: {  	_ =	shalt  }
0x69: {  	_ =	shalt  }
0x6a: {  	_ =	shalt  }
0x6b: {  	_ =	shalt  }
0x6c: {  	_ =	shalt  }
0x6d: {  	_ =	shalt  }
0x6e: {  	_ =	shalt  }
0x6f: {  	_ =	shalt  }
0x70: {  	_ =	shalt  }
0x71: {  	_ =	shalt  }
0x72: {  	_ =	shalt  }
0x73: {  	_ =	shalt  }
0x74: {  	_ =	shalt  }
0x75: {  	_ =	shalt  }
0x76: {  	_ =	shalt  }
0x77: {  	_ =	shalt  }
0x78: {  	_ =	shalt  }
0x79: {  	_ =	shalt  }
0x7a: {  	_ =	shalt  }
0x7b: {  	_ =	shalt  }
0x7c: {  	_ =	shalt  }
0x7d: {  	_ =	shalt  }
0x7e: {  	_ =	shalt  }
0x7f: {  	_ =	shalt  }
0x80: {  	_ =	shalt  }
0x81: {  	_ =	shalt  }
0x82: {  	_ =	shalt  }
0x83: {  	_ =	shalt  }
0x84: {  	_ =	shalt  }
0x85: {  	_ =	shalt  }
0x86: {  	_ =	shalt  }
0x87: {  	_ =	shalt  }
.Lfunc_end0:
.L_simem_size_0:
called_computation_lowered:
.L_overlay_start_0:
0x88: {  	s2 =	sld [smem:$0x3FD9]  }
0x89: {  	s3 =	sld [smem:$0x3FFE];
	_ =	sdelay $0x1  }
0x8a: {  	s1 =	srdreg.scid  }
0x8b: {  	s0 =	sand.u32 $0x1, s1  }
0x8c: {  	s16 =	sshll.u32 s0, $0xA;
	s2 =	sadd.s32 s3, s2  }
0x8d: {  	s2 =	sadd.s32 s2, s16  }
0x8e: {  	[smem:$0x3FB9] =	sst s2  }
0x8f: {  	_ = 	snop  }
0x90: {  	(tm) =	ssettm $0x1  }
0x91: {  	s17 =	sld [smem:$0x3FFB];
	_ =	sdelay $0x3  }
0x92: {  	_ =	strace s17  }
0x93: {  	s2 =	sld [smem:$0x3FFC];
	_ =	sdelay $0x3  }
0x94: {  	_ =	strace s2  }
0x95: {  	s2 =	sld [smem:$0x3FFD];
	_ =	sdelay $0x3  }
0x96: {  	_ =	strace s2  }
0x97: {  	_ =	strace $0x8FFFFFFF  }
0x98: {  	s18 =	sld [smem:$0x3FDB];
	_ =	sdelay $0x1  }
0x99: {  	s19 =	simm.s32 $_scs_section_size  }
0x9a: {  	s4 =	simm.s32 $_size__tile_overlayer_lowered;
	s5 =	simm.s32 $_tile_overlayer_lowered  }
0x9b: {  	s22 =	simm.s32 $0x1BFF;
	s21 =	sshll.u32 s5, $0x1;
	s2 =	sadd.s32 s19, s18  }
0x9c: {  	s6 =	simm.s32 $0x0;
	s20 =	sshll.u32 s4, $0x1;
	s4 =	sadd.s32 s21, s2  }
0x9d: {  	[timem:s6], [sflag:s22] =	dma.local [hbm:s4], s20  }
0x9e: {  	_ =	swait.ge [sflag:s22], s20  }
0x9f: {  	s3 =	ssub.s32 $0x0, s20;
	[sflag:s22] =	ssyncset.done $0x0  }
0xa0: {  	[sflag:s22] =	ssyncadd.s32 s3;
	_ =	sdelay $0x1  }
0xa1: {  	s23 =	simm.s32 $0x1B8B  }
0xa2: {  	_ =	swait.ge [sflag:s23], $0x1  }
0xa3: {  	[sflag:s23] =	ssyncset.done $0x0  }
0xa4: {  	s25 =	simm.s32 $0x1B8E;
	s24 =	sld [smem:$0x3FFE];
	[sflag:s23] =	ssyncadd.s32 $0xFFFFFFFF  }
0xa5: {  	s26 =	simm.s32 $execute0_lowered;
	[smem:$0x3FD2] =	sst s25  }
0xa6: {  	s4 =	sshll.u32 s26, $0x1;
	_ =	strace $0x80000046;
	[dreg:$0x1] =	wrdreg $0xFFFFFFFF  }
0xa7: {  	s28 =	simm.s32 $_size_execute0_lowered;
	s2 =	sadd.s32 s2, s4;
	[dreg:$0x0] =	wrdreg $0x0  }
0xa8: {  	s4 =	sshll.u32 s28, $0x1;
	[dreg:$0x2] =	wrdreg s2  }
0xa9: {  	[dreg:$0x3] =	wrdreg s4  }
0xaa: {  	[dreg:$0x4] =	wrdreg $0xC0  }
0xab: {  	_ =	task [dreg:s6], $0x5FFFF  }
0xac: {  	[dreg:$0x1] =	wrdreg $0xFFFFFFFF  }
0xad: {  	[dreg:$0x0] =	wrdreg $0x60  }
0xae: {  	[dreg:$0x2] =	wrdreg s24  }
0xaf: {  	[dreg:$0x3] =	wrdreg $0x9  }
0xb0: {  	_ =	task.clear_ibuf [dreg:s6], $0x4FFFF;
	_ =	strace $0x90000046  }
0xb1: {  	s29 =	simm.s32 $0x9;
	_ =	strace $0x80000048  }
0xb2: {  	_ =	swait.ge [sflag:s29], $0x1  }
0xb3: {  	[sflag:s29] =	ssyncadd.s32 $0xFFFFFFFF  }
0xb4: {  	_ =	strace $0x90000048  }
0xb5: {  	_ =	sfence  }
0xb6: {  	s30 =	sld [smem:$0x0];
	_ =	sdelay $0x2  }
0xb7: {  	s31 =	sshll.u32 s1, $0xD;
	s1 =	sshrl.u32 s1, $0x2  }
0xb8: {  	s3 =	sand.u32 $0x4000, s31;
	s1 =	sadd.s32 s1, s30  }
0xb9: {  	s0 =	sor.u32 s3, s0;
	s1 =	sshll.u32 s1, $0x11  }
0xba: {  	s0 =	sor.u32 s1, s0  }
0xbb: {  	s0 =	sadd.s32 $0x8F2B, s0  }
0xbc: {  	[sflag:s0] =	ssyncadd.remote.s32 $0x1  }
0xbd: {  	_ =	sfence.sel $0xFFFF  }
0xbe: {  	[dreg:$0x0] =	wrdreg $0xFFFFFFFF;
	(pc) =	sbr.abs _section_cstart, $3  }
0xbf: {  	[dreg:$0x1] =	wrdreg $0xFFFFFFFF  }
0xc0: {  	_ =	task.clear_ibuf [dreg:s6], $0x2FFFF;
	_ =	strace $0x9FFFFFFF  }
0xc1: {  	(tm) =	ssettm $0x7FFFFFFF  }
tec
execute0_lowered:
.L_overlay_start_1:
0x0: {  	(tag) =	ssettag $0x1  }
0x1: {  	s0 =	srdreg.scid  }
0x2: {  	s10 =	stileid.u32;
	s4 =	rddreg [dreg:$0x0]  }
0x3: {  	s2 =	simm.s32 $0x0;
	s15 =	simm.s32 $0x9400;
	s16 =	simm.s32 $0x9C00  }
0x4: {  	s17 =	simm.s32 $0xA400;
	s18 =	simm.s32 $0xAC00;
	s19 =	simm.s32 $0xB400  }
0x5: {  	s20 =	simm.s32 $0xBC00;
	s21 =	simm.s32 $0xC400;
	s22 =	simm.s32 $0xCC00  }
0x6: {  	s23 =	simm.s32 $0xD400;
	s24 =	simm.s32 $0xDC00;
	s25 =	simm.s32 $0xE400  }
0x7: {  	s26 =	simm.s32 $0xEC00;
	s28 =	simm.s32 $0xFC00;
	[smem:$0x7FF] =	sst s2  }
0x8: {  	s29 =	simm.s32 $0x10400;
	_ =	strace $0x80000047;
	[dreg:$0x4] =	wrdreg s15  }
0x9: {  	s30 =	simm.s32 $0x2;
	s31 =	simm.s32 $0x0;
	[dreg:$0x5] =	wrdreg s16  }
0xa: {  	s0 =	sand.u32 $0x1, s0;
	s1 =	sshll.u32 s10, $0x1;
	[dreg:$0x6] =	wrdreg s17  }
0xb: {  	s3 =	sadd.s32 $0x13800, s4;
	s6 =	smul.u32 $0x110000, s10;
	[dreg:$0x7] =	wrdreg s18  }
0xc: {  	s9 =	sadd.s32 $0x36800, s4;
	s10 =	smul.u32 $0x22000, s10;
	[dreg:$0x8] =	wrdreg s19  }
0xd: {  	s1 =	sor.u32 s0, s1;
	s8 =	smul.u32 $0x88000, s0;
	[dreg:$0x9] =	wrdreg s20  }
0xe: {  	s7 =	ssub.s32 $0x2, s0;
	s0 =	smul.u32 $0x11000, s0;
	[dreg:$0xa] =	wrdreg s21  }
0xf: {  	s15 =	simm.s32 $0x4400;
	s16 =	simm.s32 $0x4C00;
	[dreg:$0xb] =	wrdreg s22  }
0x10: {  	s17 =	simm.s32 $0x5400;
	s18 =	simm.s32 $0x5C00;
	[dreg:$0xc] =	wrdreg s23  }
0x11: {  	s19 =	simm.s32 $0x6400;
	s20 =	simm.s32 $0x6C00;
	[dreg:$0xd] =	wrdreg s24  }
0x12: {  	s21 =	simm.s32 $0x7400;
	s22 =	simm.s32 $0x7C00;
	[dreg:$0xe] =	wrdreg s25  }
0x13: {  	s23 =	simm.s32 $0x8400;
	s24 =	simm.s32 $0x1;
	[dreg:$0xf] =	wrdreg s26  }
0x14: {  	s25 =	simm.s32 $0x8C00;
	s26 =	simm.s32 $0xF400;
	s5 =	smul.u32 $0x180, s1  }
0x15: {  	s1 =	smul.u32 $0x88000, s1;
	s11 =	sshrl.u32 s7, $0x1;
	s14 =	sadd.s32 s10, s9  }
0x16: {  	s10 =	simm.s32 $0x1C00;
	s7 =	ssub.s32 s7, s11;
	s6 =	sadd.s32 s8, s6  }
0x17: {  	s0 =	sadd.s32 s0, s14;
	s8 =	simm.s32 $0xC00;
	s11 =	simm.s32 $0x2400  }
0x18: {  	s14 =	simm.s32 $0x3C00;
	s5 =	sadd.s32 s5, s4;
	s13 =	sshrl.u32 s6, $0x3  }
0x19: {  	s1 =	sshrl.u32 s1, $0x3;
	s0 =	sadd.s32 $0x1000, s0;
	s6 =	smax.u32 s7, $0x1  }
0x1a: {  	s7 =	simm.s32 $0x3;
	s12 =	sadd.s32 $0x33800, s5;
	[dreg:$0x3] =	wrdreg s0  }
0x1b: {  	v2 =	vlaneseq.u32;
	s5 =	sadd.s32 s13, s9;
	s1 =	sadd.s32 s9, s1;
	[dreg:$0x10] =	wrdreg s12  }
0x1c: {  	vm0 =	vmmov $0xffff;
	v1 =	vshrl.u32 v2, $0x3;
	s9 =	simm.s32 $0x1400;
	[dreg:$0x2] =	wrdreg s5;
	s1 =	sadd.s32 $0x10000, s1  }
0x1d: {  	v0 =	vand.u32 $0x7, v2;
	v2 =	vor.u32 $0x8, v2;
	v1 =	vmul.u32 $0x8, v1;
	s13 =	simm.s32 $0x3400;
	s12 =	simm.s32 $0x2C00;
	[dreg:$0x11] =	wrdreg s1  }
.LBB2_1:
0x1e: {  	s0 =	rddreg [dreg:$0x10]  }
0x1f: {  	[tilespmem:s2], [sflag:$0x3] =	stream.linear.gather [hbm4b:s0+s2], $0x880, $0x38;
	[tilespmem:$0x10C00] =	vst v63  }
0x20: {  	_ =	swait.ge [sflag:s7], $0x880  }
0x21: {  	[sflag:s7] =	ssyncset.done $0x0  }
0x22: {  	[sflag:s7] =	ssyncadd.s32 $0xFFFFF780  }
0x23: {  	v3 =	vld [tilespmem:$0x0];
	_ =	sdelay $0x4  }
0x24: {  	v4 =	vshll.u32 v3, $0x1  }
0x25: {  	v3 =	vand.u32 $0x7, v3;
	v4 =	vand.u32 $0xFFFFFFF0, v4  }
0x26: {  	v3 =	vor.u32 v3, v4  }
0x27: {  	v4 =	vperm.xlane v3, v0;
	_ =	sdelay $0x1  }
0x28: {  	v3 =	vperm.xlane v3, v2;
	v4 =	vadd.s32 v1, v4;
	_ =	sdelay $0x1  }
0x29: {  	v3 =	vadd.s32 v1, v3;
	_ =	sdelay $0x2  }
0x2a: {  	[tilespmem:s8], [sflag:$0x1] =	stream.indirect_vreg.gather [hbm4b:s3+s2], $0x80, v4, vm0, $0xb8;
	[tilespmem:$0x10C00] =	vst v63  }
0x2b: {  	_ = 	snop  }
0x2c: {  	[tilespmem:s9], [sflag:$0x1] =	stream.indirect_vreg.gather [hbm4b:s3+s2], $0x80, v3, vm0, $0xb8;
	[tilespmem:$0x10C00] =	vst v63  }
0x2d: {  	v3 =	vld [tilespmem:$0x10];
	_ =	sdelay $0x4  }
0x2e: {  	v57 =	vshll.u32 v3, $0x1  }
0x2f: {  	v3 =	vand.u32 $0x7, v3;
	v4 =	vand.u32 $0xFFFFFFF0, v57  }
0x30: {  	v3 =	vor.u32 v3, v4  }
0x31: {  	v4 =	vperm.xlane v3, v0;
	_ =	sdelay $0x1  }
0x32: {  	v3 =	vperm.xlane v3, v2;
	v4 =	vadd.s32 v1, v4;
	_ =	sdelay $0x1  }
0x33: {  	v3 =	vadd.s32 v1, v3;
	_ =	sdelay $0x2  }
0x34: {  	[tilespmem:s10], [sflag:$0x1] =	stream.indirect_vreg.gather [hbm4b:s3+s2], $0x80, v4, vm0, $0xb8;
	[tilespmem:$0x10C00] =	vst v63  }
0x35: {  	_ = 	snop  }
0x36: {  	[tilespmem:s11], [sflag:$0x1] =	stream.indirect_vreg.gather [hbm4b:s3+s2], $0x80, v3, vm0, $0xb8;
	[tilespmem:$0x10C00] =	vst v63  }
0x37: {  	v3 =	vld [tilespmem:$0x20];
	_ =	sdelay $0x4  }
0x38: {  	v58 =	vshll.u32 v3, $0x1  }
0x39: {  	v3 =	vand.u32 $0x7, v3;
	v4 =	vand.u32 $0xFFFFFFF0, v58  }
0x3a: {  	v3 =	vor.u32 v3, v4  }
0x3b: {  	v4 =	vperm.xlane v3, v0;
	_ =	sdelay $0x1  }
0x3c: {  	v3 =	vperm.xlane v3, v2;
	v4 =	vadd.s32 v1, v4;
	_ =	sdelay $0x1  }
0x3d: {  	v3 =	vadd.s32 v1, v3;
	_ =	sdelay $0x2  }
0x3e: {  	[tilespmem:s12], [sflag:$0x1] =	stream.indirect_vreg.gather [hbm4b:s3+s2], $0x80, v4, vm0, $0xb8;
	[tilespmem:$0x10C00] =	vst v63  }
0x3f: {  	_ = 	snop  }
0x40: {  	[tilespmem:s13], [sflag:$0x1] =	stream.indirect_vreg.gather [hbm4b:s3+s2], $0x80, v3, vm0, $0xb8;
	[tilespmem:$0x10C00] =	vst v63  }
0x41: {  	v3 =	vld [tilespmem:$0x30];
	_ =	sdelay $0x4  }
0x42: {  	v59 =	vshll.u32 v3, $0x1  }
0x43: {  	v3 =	vand.u32 $0x7, v3;
	v4 =	vand.u32 $0xFFFFFFF0, v59  }
0x44: {  	v3 =	vor.u32 v3, v4  }
0x45: {  	v4 =	vperm.xlane v3, v0;
	_ =	sdelay $0x1  }
0x46: {  	v3 =	vperm.xlane v3, v2;
	v4 =	vadd.s32 v1, v4;
	_ =	sdelay $0x1  }
0x47: {  	v3 =	vadd.s32 v1, v3;
	_ =	sdelay $0x2  }
0x48: {  	[tilespmem:s14], [sflag:$0x1] =	stream.indirect_vreg.gather [hbm4b:s3+s2], $0x80, v4, vm0, $0xb8;
	[tilespmem:$0x10C00] =	vst v63  }
0x49: {  	_ = 	snop  }
0x4a: {  	[tilespmem:s15], [sflag:$0x1] =	stream.indirect_vreg.gather [hbm4b:s3+s2], $0x80, v3, vm0, $0xb8;
	[tilespmem:$0x10C00] =	vst v63  }
0x4b: {  	v3 =	vld [tilespmem:$0x40];
	_ =	sdelay $0x4  }
0x4c: {  	v60 =	vshll.u32 v3, $0x1  }
0x4d: {  	v3 =	vand.u32 $0x7, v3;
	v4 =	vand.u32 $0xFFFFFFF0, v60  }
0x4e: {  	v3 =	vor.u32 v3, v4  }
0x4f: {  	v4 =	vperm.xlane v3, v0;
	_ =	sdelay $0x1  }
0x50: {  	v3 =	vperm.xlane v3, v2;
	v4 =	vadd.s32 v1, v4;
	_ =	sdelay $0x1  }
0x51: {  	v3 =	vadd.s32 v1, v3;
	_ =	sdelay $0x2  }
0x52: {  	[tilespmem:s16], [sflag:$0x1] =	stream.indirect_vreg.gather [hbm4b:s3+s2], $0x80, v4, vm0, $0xb8;
	[tilespmem:$0x10C00] =	vst v63  }
0x53: {  	_ = 	snop  }
0x54: {  	[tilespmem:s17], [sflag:$0x1] =	stream.indirect_vreg.gather [hbm4b:s3+s2], $0x80, v3, vm0, $0xb8;
	[tilespmem:$0x10C00] =	vst v63  }
0x55: {  	v3 =	vld [tilespmem:$0x50];
	_ =	sdelay $0x4  }
0x56: {  	v61 =	vshll.u32 v3, $0x1  }
0x57: {  	v3 =	vand.u32 $0x7, v3;
	v4 =	vand.u32 $0xFFFFFFF0, v61  }
0x58: {  	v3 =	vor.u32 v3, v4  }
0x59: {  	v4 =	vperm.xlane v3, v0;
	_ =	sdelay $0x1  }
0x5a: {  	v3 =	vperm.xlane v3, v2;
	v4 =	vadd.s32 v1, v4;
	_ =	sdelay $0x1  }
0x5b: {  	v3 =	vadd.s32 v1, v3;
	_ =	sdelay $0x2  }
0x5c: {  	[tilespmem:s18], [sflag:$0x1] =	stream.indirect_vreg.gather [hbm4b:s3+s2], $0x80, v4, vm0, $0xb8;
	[tilespmem:$0x10C00] =	vst v63  }
0x5d: {  	_ = 	snop  }
0x5e: {  	[tilespmem:s19], [sflag:$0x1] =	stream.indirect_vreg.gather [hbm4b:s3+s2], $0x80, v3, vm0, $0xb8;
	[tilespmem:$0x10C00] =	vst v63  }
0x5f: {  	v3 =	vld [tilespmem:$0x60];
	_ =	sdelay $0x4  }
0x60: {  	v62 =	vshll.u32 v3, $0x1  }
0x61: {  	v3 =	vand.u32 $0x7, v3;
	v4 =	vand.u32 $0xFFFFFFF0, v62  }
0x62: {  	v3 =	vor.u32 v3, v4  }
0x63: {  	v4 =	vperm.xlane v3, v0;
	_ =	sdelay $0x1  }
0x64: {  	v3 =	vperm.xlane v3, v2;
	v4 =	vadd.s32 v1, v4;
	_ =	sdelay $0x1  }
0x65: {  	v3 =	vadd.s32 v1, v3;
	_ =	sdelay $0x2  }
0x66: {  	[tilespmem:s20], [sflag:$0x1] =	stream.indirect_vreg.gather [hbm4b:s3+s2], $0x80, v4, vm0, $0xb8;
	[tilespmem:$0x10C00] =	vst v63  }
0x67: {  	_ = 	snop  }
0x68: {  	[tilespmem:s21], [sflag:$0x1] =	stream.indirect_vreg.gather [hbm4b:s3+s2], $0x80, v3, vm0, $0xb8;
	[tilespmem:$0x10C00] =	vst v63  }
0x69: {  	v3 =	vld [tilespmem:$0x70];
	_ =	sdelay $0x4  }
0x6a: {  	v63 =	vshll.u32 v3, $0x1  }
0x6b: {  	v3 =	vand.u32 $0x7, v3;
	v4 =	vand.u32 $0xFFFFFFF0, v63  }
0x6c: {  	v3 =	vor.u32 v3, v4  }
0x6d: {  	v4 =	vperm.xlane v3, v0;
	_ =	sdelay $0x1  }
0x6e: {  	v3 =	vperm.xlane v3, v2;
	v4 =	vadd.s32 v1, v4;
	_ =	sdelay $0x1  }
0x6f: {  	v3 =	vadd.s32 v1, v3;
	_ =	sdelay $0x2  }
0x70: {  	[tilespmem:s22], [sflag:$0x1] =	stream.indirect_vreg.gather [hbm4b:s3+s2], $0x80, v4, vm0, $0xb8;
	[tilespmem:$0x10C00] =	vst v63  }
0x71: {  	s1 =	simm.s32 $0xC0;
	s0 =	simm.s32 $0x0  }
0x72: {  	[tilespmem:s23], [sflag:$0x1] =	stream.indirect_vreg.gather [hbm4b:s3+s2], $0x80, v3, vm0, $0xb8;
	[tilespmem:$0x10C00] =	vst v63  }
.LBB2_2:
0x73: {  	_ =	swait.ge [sflag:s24], $0x8000  }
0x74: {  	p0 =	seq.s32 s0, $0x0;
	[sflag:s24] =	ssyncset.done $0x0  }
0x75: {  	s4 =	simm.s32 @!p0 $0x2;
	[sflag:s24] =	ssyncadd.s32 $0xFFFF8000  }
0x76: {  	_ =	swait.ge @!p0 [sflag:s4], $0x8000  }
0x77: {  	[sflag:s4] =	ssyncset.done @!p0 $0x0  }
0x78: {  	[sflag:s4] =	ssyncadd.s32 @!p0 $0xFFFF8000  }
0x79: {  	v3 =	vld [tilespmem:s1+$0xFFFFFFC0];
	_ =	sdelay $0x4  }
0x7a: {  	v4 =	vshll.u32 v3, $0x1  }
0x7b: {  	v3 =	vand.u32 $0x7, v3;
	v4 =	vand.u32 $0xFFFFFFF0, v4  }
0x7c: {  	v3 =	vor.u32 v3, v4  }
0x7d: {  	v4 =	vperm.xlane v3, v0;
	_ =	sdelay $0x1  }
0x7e: {  	v3 =	vperm.xlane v3, v2;
	v4 =	vadd.s32 v1, v4;
	_ =	sdelay $0x1  }
0x7f: {  	v3 =	vadd.s32 v1, v3;
	_ =	sdelay $0x2  }
0x80: {  	[tilespmem:s25], [sflag:$0x1] =	stream.indirect_vreg.gather [hbm4b:s3+s2], $0x80, v4, vm0, $0xb8;
	[tilespmem:$0x10C00] =	vst v63  }
0x81: {  	s5 =	rddreg [dreg:$0x4]  }
0x82: {  	[tilespmem:s5], [sflag:$0x1] =	stream.indirect_vreg.gather [hbm4b:s3+s2], $0x80, v3, vm0, $0xb8;
	[tilespmem:$0x10C00] =	vst v63  }
0x83: {  	v3 =	vld [tilespmem:s1+$0xFFFFFFD0];
	_ =	sdelay $0x4  }
0x84: {  	v49 =	vshll.u32 v3, $0x1  }
0x85: {  	v3 =	vand.u32 $0x7, v3;
	v4 =	vand.u32 $0xFFFFFFF0, v49  }
0x86: {  	v3 =	vor.u32 v3, v4  }
0x87: {  	v4 =	vperm.xlane v3, v0;
	_ =	sdelay $0x1  }
0x88: {  	v3 =	vperm.xlane v3, v2;
	v4 =	vadd.s32 v1, v4;
	_ =	sdelay $0x1  }
0x89: {  	v3 =	vadd.s32 v1, v3;
	_ =	sdelay $0x1  }
0x8a: {  	s4 =	rddreg [dreg:$0x5]  }
0x8b: {  	[tilespmem:s4], [sflag:$0x1] =	stream.indirect_vreg.gather [hbm4b:s3+s2], $0x80, v4, vm0, $0xb8;
	[tilespmem:$0x10C00] =	vst v63  }
0x8c: {  	s5 =	rddreg [dreg:$0x6]  }
0x8d: {  	[tilespmem:s5], [sflag:$0x1] =	stream.indirect_vreg.gather [hbm4b:s3+s2], $0x80, v3, vm0, $0xb8;
	[tilespmem:$0x10C00] =	vst v63  }
0x8e: {  	v3 =	vld [tilespmem:s1+$0xFFFFFFE0];
	_ =	sdelay $0x4  }
0x8f: {  	v50 =	vshll.u32 v3, $0x1  }
0x90: {  	v3 =	vand.u32 $0x7, v3;
	v4 =	vand.u32 $0xFFFFFFF0, v50  }
0x91: {  	v3 =	vor.u32 v3, v4  }
0x92: {  	v4 =	vperm.xlane v3, v0;
	_ =	sdelay $0x1  }
0x93: {  	v3 =	vperm.xlane v3, v2;
	v4 =	vadd.s32 v1, v4;
	_ =	sdelay $0x1  }
0x94: {  	v3 =	vadd.s32 v1, v3;
	_ =	sdelay $0x1  }
0x95: {  	s4 =	rddreg [dreg:$0x7]  }
0x96: {  	[tilespmem:s4], [sflag:$0x1] =	stream.indirect_vreg.gather [hbm4b:s3+s2], $0x80, v4, vm0, $0xb8;
	[tilespmem:$0x10C00] =	vst v63  }
0x97: {  	s5 =	rddreg [dreg:$0x8]  }
0x98: {  	[tilespmem:s5], [sflag:$0x1] =	stream.indirect_vreg.gather [hbm4b:s3+s2], $0x80, v3, vm0, $0xb8;
	[tilespmem:$0x10C00] =	vst v63  }
0x99: {  	v3 =	vld [tilespmem:s1+$0xFFFFFFF0];
	_ =	sdelay $0x4  }
0x9a: {  	v51 =	vshll.u32 v3, $0x1  }
0x9b: {  	v3 =	vand.u32 $0x7, v3;
	v4 =	vand.u32 $0xFFFFFFF0, v51  }
0x9c: {  	v3 =	vor.u32 v3, v4  }
0x9d: {  	v4 =	vperm.xlane v3, v0;
	_ =	sdelay $0x1  }
0x9e: {  	v3 =	vperm.xlane v3, v2;
	v4 =	vadd.s32 v1, v4;
	_ =	sdelay $0x1  }
0x9f: {  	v3 =	vadd.s32 v1, v3;
	_ =	sdelay $0x1  }
0xa0: {  	s4 =	rddreg [dreg:$0x9]  }
0xa1: {  	[tilespmem:s4], [sflag:$0x1] =	stream.indirect_vreg.gather [hbm4b:s3+s2], $0x80, v4, vm0, $0xb8;
	[tilespmem:$0x10C00] =	vst v63  }
0xa2: {  	s5 =	rddreg [dreg:$0xa]  }
0xa3: {  	[tilespmem:s5], [sflag:$0x1] =	stream.indirect_vreg.gather [hbm4b:s3+s2], $0x80, v3, vm0, $0xb8;
	[tilespmem:$0x10C00] =	vst v63  }
0xa4: {  	v3 =	vld [tilespmem:s1+$0x0];
	_ =	sdelay $0x4  }
0xa5: {  	v52 =	vshll.u32 v3, $0x1  }
0xa6: {  	v3 =	vand.u32 $0x7, v3;
	v4 =	vand.u32 $0xFFFFFFF0, v52  }
0xa7: {  	v3 =	vor.u32 v3, v4  }
0xa8: {  	v4 =	vperm.xlane v3, v0;
	_ =	sdelay $0x1  }
0xa9: {  	v3 =	vperm.xlane v3, v2;
	v4 =	vadd.s32 v1, v4;
	_ =	sdelay $0x1  }
0xaa: {  	v3 =	vadd.s32 v1, v3;
	_ =	sdelay $0x1  }
0xab: {  	s4 =	rddreg [dreg:$0xb]  }
0xac: {  	[tilespmem:s4], [sflag:$0x1] =	stream.indirect_vreg.gather [hbm4b:s3+s2], $0x80, v4, vm0, $0xb8;
	[tilespmem:$0x10C00] =	vst v63  }
0xad: {  	s5 =	rddreg [dreg:$0xc]  }
0xae: {  	[tilespmem:s5], [sflag:$0x1] =	stream.indirect_vreg.gather [hbm4b:s3+s2], $0x80, v3, vm0, $0xb8;
	[tilespmem:$0x10C00] =	vst v63  }
0xaf: {  	v3 =	vld [tilespmem:s1+$0x10];
	_ =	sdelay $0x4  }
0xb0: {  	v53 =	vshll.u32 v3, $0x1  }
0xb1: {  	v3 =	vand.u32 $0x7, v3;
	v4 =	vand.u32 $0xFFFFFFF0, v53  }
0xb2: {  	v3 =	vor.u32 v3, v4  }
0xb3: {  	v4 =	vperm.xlane v3, v0;
	_ =	sdelay $0x1  }
0xb4: {  	v3 =	vperm.xlane v3, v2;
	v4 =	vadd.s32 v1, v4;
	_ =	sdelay $0x1  }
0xb5: {  	v3 =	vadd.s32 v1, v3;
	_ =	sdelay $0x1  }
0xb6: {  	s4 =	rddreg [dreg:$0xd]  }
0xb7: {  	[tilespmem:s4], [sflag:$0x1] =	stream.indirect_vreg.gather [hbm4b:s3+s2], $0x80, v4, vm0, $0xb8;
	[tilespmem:$0x10C00] =	vst v63  }
0xb8: {  	s5 =	rddreg [dreg:$0xe]  }
0xb9: {  	[tilespmem:s5], [sflag:$0x1] =	stream.indirect_vreg.gather [hbm4b:s3+s2], $0x80, v3, vm0, $0xb8;
	[tilespmem:$0x10C00] =	vst v63  }
0xba: {  	v3 =	vld [tilespmem:s1+$0x20];
	_ =	sdelay $0x4  }
0xbb: {  	v54 =	vshll.u32 v3, $0x1  }
0xbc: {  	v3 =	vand.u32 $0x7, v3;
	v4 =	vand.u32 $0xFFFFFFF0, v54  }
0xbd: {  	v3 =	vor.u32 v3, v4  }
0xbe: {  	v4 =	vperm.xlane v3, v0;
	_ =	sdelay $0x1  }
0xbf: {  	v3 =	vperm.xlane v3, v2;
	v4 =	vadd.s32 v1, v4;
	_ =	sdelay $0x1  }
0xc0: {  	v3 =	vadd.s32 v1, v3;
	_ =	sdelay $0x1  }
0xc1: {  	s5 =	rddreg [dreg:$0xf]  }
0xc2: {  	[tilespmem:s5], [sflag:$0x1] =	stream.indirect_vreg.gather [hbm4b:s3+s2], $0x80, v4, vm0, $0xb8;
	[tilespmem:$0x10C00] =	vst v63  }
0xc3: {  	_ = 	snop  }
0xc4: {  	[tilespmem:s26], [sflag:$0x1] =	stream.indirect_vreg.gather [hbm4b:s3+s2], $0x80, v3, vm0, $0xb8;
	[tilespmem:$0x10C00] =	vst v63  }
0xc5: {  	v3 =	vld [tilespmem:s1+$0x30];
	_ =	sdelay $0x4  }
0xc6: {  	v55 =	vshll.u32 v3, $0x1  }
0xc7: {  	v3 =	vand.u32 $0x7, v3;
	v4 =	vand.u32 $0xFFFFFFF0, v55  }
0xc8: {  	v3 =	vor.u32 v3, v4  }
0xc9: {  	v4 =	vperm.xlane v3, v0;
	_ =	sdelay $0x1  }
0xca: {  	v3 =	vperm.xlane v3, v2;
	v4 =	vadd.s32 v1, v4;
	_ =	sdelay $0x1  }
0xcb: {  	v3 =	vadd.s32 v1, v3;
	_ =	sdelay $0x2  }
0xcc: {  	[tilespmem:s28], [sflag:$0x1] =	stream.indirect_vreg.gather [hbm4b:s3+s2], $0x80, v4, vm0, $0xb8;
	[tilespmem:$0x10C00] =	vst v63  }
0xcd: {  	s5 =	rddreg [dreg:$0x2]  }
0xce: {  	[tilespmem:s29], [sflag:$0x1] =	stream.indirect_vreg.gather [hbm4b:s3+s2], $0x80, v3, vm0, $0xb8;
	[tilespmem:$0x10C00] =	vst v63  }
0xcf: {  	s4 =	sadd.s32 s0, s5  }
0xd0: {  	[hbm4b:s4+s2] =	stream.linear.scatter [tilespmem:s8], [sflag:$0x2], $0x8000, $0x38;
	[tilespmem:$0x10C00] =	vst v63  }
0xd1: {  	_ =	swait.ge [sflag:s24], $0x8000  }
0xd2: {  	[sflag:s24] =	ssyncset.done $0x0  }
0xd3: {  	[sflag:s24] =	ssyncadd.s32 $0xFFFF8000  }
0xd4: {  	_ =	swait.ge [sflag:s30], $0x8000  }
0xd5: {  	[sflag:s30] =	ssyncset.done $0x0  }
0xd6: {  	[sflag:s30] =	ssyncadd.s32 $0xFFFF8000  }
0xd7: {  	v3 =	vld [tilespmem:s1+$0x40];
	_ =	sdelay $0x4  }
0xd8: {  	v56 =	vshll.u32 v3, $0x1  }
0xd9: {  	v3 =	vand.u32 $0x7, v3;
	v4 =	vand.u32 $0xFFFFFFF0, v56  }
0xda: {  	v3 =	vor.u32 v3, v4  }
0xdb: {  	v4 =	vperm.xlane v3, v0;
	_ =	sdelay $0x1  }
0xdc: {  	v3 =	vperm.xlane v3, v2;
	v4 =	vadd.s32 v1, v4;
	_ =	sdelay $0x1  }
0xdd: {  	v3 =	vadd.s32 v1, v3;
	_ =	sdelay $0x2  }
0xde: {  	[tilespmem:s8], [sflag:$0x1] =	stream.indirect_vreg.gather [hbm4b:s3+s2], $0x80, v4, vm0, $0xb8;
	[tilespmem:$0x10C00] =	vst v63  }
0xdf: {  	_ = 	snop  }
0xe0: {  	[tilespmem:s9], [sflag:$0x1] =	stream.indirect_vreg.gather [hbm4b:s3+s2], $0x80, v3, vm0, $0xb8;
	[tilespmem:$0x10C00] =	vst v63  }
0xe1: {  	v3 =	vld [tilespmem:s1+$0x50];
	_ =	sdelay $0x4  }
0xe2: {  	v57 =	vshll.u32 v3, $0x1  }
0xe3: {  	v3 =	vand.u32 $0x7, v3;
	v4 =	vand.u32 $0xFFFFFFF0, v57  }
0xe4: {  	v3 =	vor.u32 v3, v4  }
0xe5: {  	v4 =	vperm.xlane v3, v0;
	_ =	sdelay $0x1  }
0xe6: {  	v3 =	vperm.xlane v3, v2;
	v4 =	vadd.s32 v1, v4;
	_ =	sdelay $0x1  }
0xe7: {  	v3 =	vadd.s32 v1, v3;
	_ =	sdelay $0x2  }
0xe8: {  	[tilespmem:s10], [sflag:$0x1] =	stream.indirect_vreg.gather [hbm4b:s3+s2], $0x80, v4, vm0, $0xb8;
	[tilespmem:$0x10C00] =	vst v63  }
0xe9: {  	_ = 	snop  }
0xea: {  	[tilespmem:s11], [sflag:$0x1] =	stream.indirect_vreg.gather [hbm4b:s3+s2], $0x80, v3, vm0, $0xb8;
	[tilespmem:$0x10C00] =	vst v63  }
0xeb: {  	v3 =	vld [tilespmem:s1+$0x60];
	_ =	sdelay $0x4  }
0xec: {  	v58 =	vshll.u32 v3, $0x1  }
0xed: {  	v3 =	vand.u32 $0x7, v3;
	v4 =	vand.u32 $0xFFFFFFF0, v58  }
0xee: {  	v3 =	vor.u32 v3, v4  }
0xef: {  	v4 =	vperm.xlane v3, v0;
	_ =	sdelay $0x1  }
0xf0: {  	v3 =	vperm.xlane v3, v2;
	v4 =	vadd.s32 v1, v4;
	_ =	sdelay $0x1  }
0xf1: {  	v3 =	vadd.s32 v1, v3;
	_ =	sdelay $0x2  }
0xf2: {  	[tilespmem:s12], [sflag:$0x1] =	stream.indirect_vreg.gather [hbm4b:s3+s2], $0x80, v4, vm0, $0xb8;
	[tilespmem:$0x10C00] =	vst v63  }
0xf3: {  	_ = 	snop  }
0xf4: {  	[tilespmem:s13], [sflag:$0x1] =	stream.indirect_vreg.gather [hbm4b:s3+s2], $0x80, v3, vm0, $0xb8;
	[tilespmem:$0x10C00] =	vst v63  }
0xf5: {  	v3 =	vld [tilespmem:s1+$0x70];
	_ =	sdelay $0x4  }
0xf6: {  	v59 =	vshll.u32 v3, $0x1  }
0xf7: {  	v3 =	vand.u32 $0x7, v3;
	v4 =	vand.u32 $0xFFFFFFF0, v59  }
0xf8: {  	v3 =	vor.u32 v3, v4  }
0xf9: {  	v4 =	vperm.xlane v3, v0;
	_ =	sdelay $0x1  }
0xfa: {  	v3 =	vperm.xlane v3, v2;
	v4 =	vadd.s32 v1, v4;
	_ =	sdelay $0x1  }
0xfb: {  	v3 =	vadd.s32 v1, v3;
	_ =	sdelay $0x2  }
0xfc: {  	[tilespmem:s14], [sflag:$0x1] =	stream.indirect_vreg.gather [hbm4b:s3+s2], $0x80, v4, vm0, $0xb8;
	[tilespmem:$0x10C00] =	vst v63  }
0xfd: {  	_ = 	snop  }
0xfe: {  	[tilespmem:s15], [sflag:$0x1] =	stream.indirect_vreg.gather [hbm4b:s3+s2], $0x80, v3, vm0, $0xb8;
	[tilespmem:$0x10C00] =	vst v63  }
0xff: {  	v3 =	vld [tilespmem:s1+$0x80];
	_ =	sdelay $0x4  }
0x100: {  	v60 =	vshll.u32 v3, $0x1  }
0x101: {  	v3 =	vand.u32 $0x7, v3;
	v4 =	vand.u32 $0xFFFFFFF0, v60  }
0x102: {  	v3 =	vor.u32 v3, v4  }
0x103: {  	v4 =	vperm.xlane v3, v0;
	_ =	sdelay $0x1  }
0x104: {  	v3 =	vperm.xlane v3, v2;
	v4 =	vadd.s32 v1, v4;
	_ =	sdelay $0x1  }
0x105: {  	v3 =	vadd.s32 v1, v3;
	_ =	sdelay $0x2  }
0x106: {  	[tilespmem:s16], [sflag:$0x1] =	stream.indirect_vreg.gather [hbm4b:s3+s2], $0x80, v4, vm0, $0xb8;
	[tilespmem:$0x10C00] =	vst v63  }
0x107: {  	_ = 	snop  }
0x108: {  	[tilespmem:s17], [sflag:$0x1] =	stream.indirect_vreg.gather [hbm4b:s3+s2], $0x80, v3, vm0, $0xb8;
	[tilespmem:$0x10C00] =	vst v63  }
0x109: {  	v3 =	vld [tilespmem:s1+$0x90];
	_ =	sdelay $0x4  }
0x10a: {  	v61 =	vshll.u32 v3, $0x1  }
0x10b: {  	v3 =	vand.u32 $0x7, v3;
	v4 =	vand.u32 $0xFFFFFFF0, v61  }
0x10c: {  	v3 =	vor.u32 v3, v4  }
0x10d: {  	v4 =	vperm.xlane v3, v0;
	_ =	sdelay $0x1  }
0x10e: {  	v3 =	vperm.xlane v3, v2;
	v4 =	vadd.s32 v1, v4;
	_ =	sdelay $0x1  }
0x10f: {  	v3 =	vadd.s32 v1, v3;
	_ =	sdelay $0x2  }
0x110: {  	[tilespmem:s18], [sflag:$0x1] =	stream.indirect_vreg.gather [hbm4b:s3+s2], $0x80, v4, vm0, $0xb8;
	[tilespmem:$0x10C00] =	vst v63  }
0x111: {  	_ = 	snop  }
0x112: {  	[tilespmem:s19], [sflag:$0x1] =	stream.indirect_vreg.gather [hbm4b:s3+s2], $0x80, v3, vm0, $0xb8;
	[tilespmem:$0x10C00] =	vst v63  }
0x113: {  	v3 =	vld [tilespmem:s1+$0xA0];
	_ =	sdelay $0x4  }
0x114: {  	v62 =	vshll.u32 v3, $0x1  }
0x115: {  	v3 =	vand.u32 $0x7, v3;
	v4 =	vand.u32 $0xFFFFFFF0, v62  }
0x116: {  	v3 =	vor.u32 v3, v4  }
0x117: {  	v4 =	vperm.xlane v3, v0;
	_ =	sdelay $0x1  }
0x118: {  	v3 =	vperm.xlane v3, v2;
	v4 =	vadd.s32 v1, v4;
	_ =	sdelay $0x1  }
0x119: {  	v3 =	vadd.s32 v1, v3;
	_ =	sdelay $0x2  }
0x11a: {  	[tilespmem:s20], [sflag:$0x1] =	stream.indirect_vreg.gather [hbm4b:s3+s2], $0x80, v4, vm0, $0xb8;
	[tilespmem:$0x10C00] =	vst v63  }
0x11b: {  	_ = 	snop  }
0x11c: {  	[tilespmem:s21], [sflag:$0x1] =	stream.indirect_vreg.gather [hbm4b:s3+s2], $0x80, v3, vm0, $0xb8;
	[tilespmem:$0x10C00] =	vst v63  }
0x11d: {  	v3 =	vld [tilespmem:s1+$0xB0];
	_ =	sdelay $0x4  }
0x11e: {  	v63 =	vshll.u32 v3, $0x1  }
0x11f: {  	v3 =	vand.u32 $0x7, v3;
	v4 =	vand.u32 $0xFFFFFFF0, v63  }
0x120: {  	v3 =	vor.u32 v3, v4  }
0x121: {  	v4 =	vperm.xlane v3, v0;
	_ =	sdelay $0x1  }
0x122: {  	v4 =	vadd.s32 v1, v4  }
0x123: {  	v3 =	vperm.xlane v3, v2  }
0x124: {  	s5 =	rddreg [dreg:$0x3]  }
0x125: {  	s4 =	sadd.s32 s0, s5;
	s0 =	sadd.s32 $0x2000, s0;
	v3 =	vadd.s32 v1, v3  }
0x126: {  	p0 =	sne.s32 s0, $0x10000  }
0x127: {  	[tilespmem:s22], [sflag:$0x1] =	stream.indirect_vreg.gather [hbm4b:s3+s2], $0x80, v4, vm0, $0xb8;
	[tilespmem:$0x10C00] =	vst v63  }
.Ltmp0:
0x128: {  	_ = 	snop;
	(pc) =	sbr.rel @p0 .LBB2_2-.Ltmp0, $4  }
0x129: {  	_ = 	snop  }
0x12a: {  	[tilespmem:s23], [sflag:$0x1] =	stream.indirect_vreg.gather [hbm4b:s3+s2], $0x80, v3, vm0, $0xb8;
	[tilespmem:$0x10C00] =	vst v63  }
0x12b: {  	s1 =	sadd.s32 $0x100, s1  }
0x12c: {  	[hbm4b:s4+s2] =	stream.linear.scatter [tilespmem:s25], [sflag:$0x2], $0x8000, $0x38;
	[tilespmem:$0x10C00] =	vst v63  }
0x12d: {  	_ =	swait.ge [sflag:s24], $0x8000  }
0x12e: {  	[sflag:s24] =	ssyncset.done $0x0  }
0x12f: {  	[sflag:s24] =	ssyncadd.s32 $0xFFFF8000  }
0x130: {  	s31 =	sadd.s32 $0x1, s31;
	_ =	swait.ge [sflag:s30], $0x8000  }
0x131: {  	p0 =	sne.s32 s31, s6;
	[sflag:s30] =	ssyncset.done $0x0  }
.Ltmp1:
0x132: {  	s0 =	rddreg [dreg:$0x11];
	[sflag:s30] =	ssyncadd.s32 $0xFFFF8000;
	(pc) =	sbr.rel @p0 .LBB2_1-.Ltmp1, $4  }
0x133: {  	[hbm4b:s0+s2] =	stream.linear.scatter [tilespmem:s8], [sflag:$0x3], $0x8000, $0x38;
	[tilespmem:$0x10C00] =	vst v63  }
0x134: {  	_ =	swait.ge [sflag:s7], $0x8000  }
0x135: {  	[sflag:s7] =	ssyncset.done $0x0  }
0x136: {  	[sflag:s7] =	ssyncadd.s32 $0xFFFF8000  }
0x137: {  	_ =	sfence.sel $0x180000  }
0x138: {  	[bflag:$0x0] =	sbarrier.arrive $0xFFFF  }
0x139: {  	_ =	strace $0x90000047  }
0x13a: {  	s0 =	stileid.u32;
	[bflag:$0x2] =	sbarrier.arrive $0xFFFF  }
0x13b: {  	p0 =	sne.s32 s0, $0x0;
	s0 =	rddreg [dreg:$0x1]  }
0x13c: {  	s0 =	sadd.s32 @!p0 $0x100000, s0  }
0x13d: {  	[sflag:s0] =	ssyncadd.tile.s32 @!p0 $0x1;
	_ =	shalt  }
.Lfunc_end2:
_tile_overlayer_lowered:
.L_overlay_start_2:
0x13e: {  	(tag) =	ssettag $0x2  }
0x13f: {  	s0 =	rddreg [dreg:$0x0];
	s2 =	stileid.u32  }
0x140: {  	s1 =	rddreg [dreg:$0x1];
	p0 =	sne.s32 s2, $0x0  }
0x141: {  	s3 =	rddreg [dreg:$0x2];
	[bflag:$0x3] =	sbarrier.arrive $0xFFFF;
	s2 =	simm.s32 @!p0 $0x1C03  }
0x142: {  	[timem:s3], [sflag:s2] =	dma.local @!p0 [hbm:s0], s1  }
0x143: {  	s0 =	simm.s32 @!p0 $0x3  }
0x144: {  	_ =	swait.ge @!p0 [sflag:s0], s1  }
0x145: {  	s1 =	ssub.s32 @!p0 $0x0, s1;
	[sflag:s0] =	ssyncset.done @!p0 $0x0  }
0x146: {  	[sflag:s0] =	ssyncadd.s32 @!p0 s1  }
0x147: {  	[bflag:$0x3] =	sbarrier.arrive $0xFFFF  }
0x148: {  	_ =	shalt  }

</sc_bundles>
